<compile_context>
chip_gen: v7x
topology: tpu7x:2x2x1
jax: 0.10.2.dev20260603
libtpu: 0.0.44.dev20260713+nightly
codegen_flags: <defaults>
</compile_context>

<pallas_src>
import functools

import jax
import jax.numpy as jnp
from jax import lax
from jax.experimental import pallas as pl
from jax.experimental.pallas import tpu as pltpu
from jax.experimental.pallas import tpu_sc as plsc

_TEMP_INV = 10.0
_LOG2E = 1.4426950408889634
_B = 1024
_D = 32
_M = 100000
_TM = 10000

_SC_INFO = plsc.get_sparse_core_info()
_NW = _SC_INFO.num_cores * _SC_INFO.num_subcores
_BPW = _B // _NW


def _sc_gather_body(idx_hbm, table_hbm, out_hbm, idx_v, rows_v, sem):
    wid = lax.axis_index("s") * _SC_INFO.num_cores + lax.axis_index("c")
    base = wid * _BPW
    pltpu.sync_copy(idx_hbm.at[pl.ds(base, _BPW)], idx_v)
    copies = []
    for h in range(_BPW // 16):
        v = idx_v[pl.ds(h * 16, 16)]
        for r in range(16):
            copies.append(
                pltpu.async_copy(
                    table_hbm.at[pl.ds(v[r], 1)],
                    rows_v.at[pl.ds(h * 16 + r, 1)],
                    sem,
                )
            )
    for c in copies:
        c.wait()
    pltpu.sync_copy(rows_v, out_hbm.at[pl.ds(base, _BPW)])


_sc_gather = functools.partial(
    pl.kernel,
    mesh=plsc.VectorSubcoreMesh(core_axis_name="c", subcore_axis_name="s"),
    out_type=jax.ShapeDtypeStruct((_B, _D), jnp.float32),
    scratch_types=[
        pltpu.VMEM((_BPW,), jnp.int32),
        pltpu.VMEM((_BPW, _D), jnp.float32),
        pltpu.SemaphoreType.DMA,
    ],
)(_sc_gather_body)


def _down_kernel(ft_ref, c_ref, down_ref, ft_scr, acc_ref):
    i = pl.program_id(0)
    nt = pl.num_programs(0)

    @pl.when(i == 0)
    def _init():
        ft = ft_ref[...]
        nrm = jnp.sqrt(jnp.sum(ft * ft, axis=0, keepdims=True))
        ft_scr[...] = ft / jnp.maximum(nrm, 1e-12)
        acc_ref[...] = jnp.zeros_like(acc_ref)

    ft = ft_scr[...]
    c = c_ref[...]
    g = jax.lax.dot_general(
        c, ft, (((1,), (0,)), ((), ())), preferred_element_type=jnp.float32
    )
    e = jnp.exp2(g * (_TEMP_INV * _LOG2E))
    acc_ref[...] += jnp.sum(e, axis=0, keepdims=True)

    @pl.when(i == nt - 1)
    def _fin():
        down_ref[...] = acc_ref[...]


def _finish_kernel(ft_ref, rows_ref, down_ref, out_ref):
    ft = ft_ref[...]
    nrm = jnp.sqrt(jnp.sum(ft * ft, axis=0, keepdims=True))
    ftn = ft / jnp.maximum(nrm, 1e-12)
    rt = jnp.transpose(rows_ref[...], (1, 0))
    fb = ftn.astype(jnp.bfloat16).astype(jnp.float32)
    rb = rt.astype(jnp.bfloat16).astype(jnp.float32)
    gl = jnp.sum(fb * rb, axis=0, keepdims=True)
    ups = jnp.exp2(gl * (_TEMP_INV * _LOG2E))
    out_ref[...] = ups / down_ref[...]


@functools.partial(jax.jit, static_argnames=())
def kernel(features, labels, centrals):
    ft = features.T
    rows = _sc_gather(labels, centrals)
    nt = _M // _TM
    down = pl.pallas_call(
        _down_kernel,
        grid=(nt,),
        in_specs=[
            pl.BlockSpec((_D, _B), lambda i: (0, 0)),
            pl.BlockSpec((_TM, _D), lambda i: (i, 0)),
        ],
        out_specs=pl.BlockSpec((1, _B), lambda i: (0, 0)),
        out_shape=jax.ShapeDtypeStruct((1, _B), jnp.float32),
        scratch_shapes=[
            pltpu.VMEM((_D, _B), jnp.float32),
            pltpu.VMEM((1, _B), jnp.float32),
        ],
    )(ft, centrals)
    out = pl.pallas_call(
        _finish_kernel,
        out_shape=jax.ShapeDtypeStruct((1, _B), jnp.float32),
    )(ft, rows, down)
    return out.reshape(_B)

# --- scband reference (transcript-rebuilt; emitter-appended) ---
"""Pipeline reference for scband-trainer-14465449853585 (READ-ONLY COPY).

The authoritative reference and input builder live on the scoring server;
editing this copy changes nothing except your own understanding.
"""

import jax, jax.numpy as jnp
import numpy as np

TEMP = 0.1
M = 100000
D = 32
B = 1024

def _l2norm(x, axis=1):
    n = jnp.linalg.norm(x, axis=axis, keepdims=True)
    return x / jnp.clip(n, 1e-12, None)

def setup_inputs(seed: int = 0) -> dict:
    key = jax.random.key(seed)
    k1, k2, k3 = jax.random.split(key, 3)
    features = jax.random.normal(k1, (B, D), dtype=jnp.float32)
    labels = jax.random.randint(k2, (B,), 0, M, dtype=jnp.int32)
    centrals = jax.random.normal(k3, (M, D), dtype=jnp.float32)
    # torch memory bank rows are kept L2-normalized (see CM.backward normalization)
    centrals = _l2norm(centrals, axis=1)
    return {"features": features, "labels": labels, "centrals": centrals}

def reference(features, labels, centrals):
    # Trainer.classifier: f = F.normalize(features); outputs = cm(f, labels, centrals)
    f = _l2norm(features, axis=1)
    outputs = f @ centrals.T            # CM.forward: inputs.mm(features.t())
    outputs = outputs / TEMP            # outputs /= self.temp
    inner_product = jnp.exp(outputs)
    ups = jnp.take_along_axis(inner_product, labels[:, None].astype(jnp.int32), axis=1)[:, 0]
    down = jnp.sum(inner_product, axis=1)
    return ups / down

if __name__ == "__main__":
    import jax
    _d = setup_inputs()
    print(jax.jit(kernel)(*tuple(_d.values())))

</pallas_src>

<mosaic_0001>
#map = affine_map<(d0, d1) -> (0)>
#map1 = affine_map<(d0, d1) -> (0, 0)>
module attributes {stable_mosaic.version = 14 : i64} {
  func.func @_sc_gather_body(%arg0: i32, %arg1: i32, %arg2: memref<1024xi32, #tpu.memory_space<hbm>>, %arg3: memref<100000x32xf32, #tpu.memory_space<hbm>>, %arg4: memref<1024x32xf32, #tpu.memory_space<hbm>>, %arg5: memref<32xi32, #tpu.memory_space<vmem>>, %arg6: memref<32x32xf32, #tpu.memory_space<vmem>>, %arg7: memref<!tpu.dma_semaphore, #tpu.memory_space<semaphore_mem>>) attributes {dimension_semantics = [#tpu.dimension_semantics<core_parallel>, #tpu.dimension_semantics<subcore_parallel>], iteration_bounds = array<i64: 2, 16>, scalar_prefetch = 0 : i64, scratch_operands = 3 : i64, tpu.core_type = #tpu.core_type<sc_vector_subcore>, window_params = [{transform_indices = #map}, {transform_indices = #map1}, {transform_indices = #map1}]} {
    %mul3A = arith.constant 2 : i32
    %mul3A_0 = arith.muli %arg1, %mul3A : i32
    %add3A = arith.addi %mul3A_0, %arg0 : i32
    %mul3A_1 = arith.constant 32 : i32
    %mul3A_2 = arith.muli %add3A, %mul3A_1 : i32
    "tpu.region"() ({
      %run_scoped3A = tpu.sem_alloc : memref<!tpu.dma_semaphore, #tpu.memory_space<semaphore_mem>>
      %dma_start3A_708 = tpu.memref_slice %arg2[%mul3A_2] : memref<1024xi32, #tpu.memory_space<hbm>> -> memref<32xi32, #tpu.memory_space<hbm>>
      %dma_start3A_709 = tpu.memref_slice %arg2[%mul3A_2] : memref<1024xi32, #tpu.memory_space<hbm>> -> memref<32xi32, #tpu.memory_space<hbm>>
      tpu.enqueue_dma source(%dma_start3A_709 : memref<32xi32, #tpu.memory_space<hbm>>) target(%arg5 : memref<32xi32, #tpu.memory_space<vmem>>) target_semaphore(%run_scoped3A : memref<!tpu.dma_semaphore, #tpu.memory_space<semaphore_mem>>)
      %dma_wait3A_710 = tpu.memref_slice %arg2[%mul3A_2] : memref<1024xi32, #tpu.memory_space<hbm>> -> memref<32xi32, #tpu.memory_space<hbm>>
      %dma_wait3A_711 = tpu.memref_slice %arg2[%mul3A_2] : memref<1024xi32, #tpu.memory_space<hbm>> -> memref<32xi32, #tpu.memory_space<hbm>>
      tpu.wait_dma2 semaphore(%run_scoped3A : memref<!tpu.dma_semaphore, #tpu.memory_space<semaphore_mem>>) src(%dma_wait3A_711 : memref<32xi32, #tpu.memory_space<hbm>>) dst(%arg5 : memref<32xi32, #tpu.memory_space<vmem>>)
      tpu.yield
    }) : () -> ()
    %get3A = arith.constant 0 : index
    %get3A_3 = tpu.vector_load %arg5[%get3A] {strides = array<i32>} : memref<32xi32, #tpu.memory_space<vmem>>, vector<16xi32>,
    %get3A_4 = vector.shape_cast %get3A_3 : vector<16xi32> to vector<16xi32>
    %slice3A = vector.extract_strided_slice %get3A_4 {offsets = [0], sizes = [1], strides = [1]} : vector<16xi32> to vector<1xi32>
    %squeeze3A = vector.extract %slice3A[0] : i32 from vector<1xi32>
    %dma_start3A = arith.constant 0 : i32
    %dma_start3A_5 = arith.constant 0 : i32
    %dma_start3A_6 = tpu.memref_slice %arg6[%dma_start3A, %dma_start3A_5] : memref<32x32xf32, #tpu.memory_space<vmem>> -> memref<1x32xf32, #tpu.memory_space<vmem>>
    %dma_start3A_7 = arith.constant 0 : i32
    %dma_start3A_8 = tpu.memref_slice %arg3[%squeeze3A, %dma_start3A_7] : memref<100000x32xf32, #tpu.memory_space<hbm>> -> memref<1x32xf32, #tpu.memory_space<hbm>>
    %dma_start3A_9 = arith.constant 0 : i32
    %dma_start3A_10 = arith.constant 0 : i32
    %dma_start3A_11 = tpu.memref_slice %arg6[%dma_start3A_9, %dma_start3A_10] : memref<32x32xf32, #tpu.memory_space<vmem>> -> memref<1x32xf32, #tpu.memory_space<vmem>>
    %dma_start3A_12 = arith.constant 0 : i32
    %dma_start3A_13 = tpu.memref_slice %arg3[%squeeze3A, %dma_start3A_12] : memref<100000x32xf32, #tpu.memory_space<hbm>> -> memref<1x32xf32, #tpu.memory_space<hbm>>
    tpu.enqueue_dma source(%dma_start3A_13 : memref<1x32xf32, #tpu.memory_space<hbm>>) target(%dma_start3A_11 : memref<1x32xf32, #tpu.memory_space<vmem>>) target_semaphore(%arg7 : memref<!tpu.dma_semaphore, #tpu.memory_space<semaphore_mem>>)
    %slice3A_14 = vector.extract_strided_slice %get3A_4 {offsets = [1], sizes = [1], strides = [1]} : vector<16xi32> to vector<1xi32>
    %squeeze3A_15 = vector.extract %slice3A_14[0] : i32 from vector<1xi32>
    %dma_start3A_16 = arith.constant 1 : i32
    %dma_start3A_17 = arith.constant 0 : i32
    %dma_start3A_18 = tpu.memref_slice %arg6[%dma_start3A_16, %dma_start3A_17] : memref<32x32xf32, #tpu.memory_space<vmem>> -> memref<1x32xf32, #tpu.memory_space<vmem>>
    %dma_start3A_19 = arith.constant 0 : i32
    %dma_start3A_20 = tpu.memref_slice %arg3[%squeeze3A_15, %dma_start3A_19] : memref<100000x32xf32, #tpu.memory_space<hbm>> -> memref<1x32xf32, #tpu.memory_space<hbm>>
    %dma_start3A_21 = arith.constant 1 : i32
    %dma_start3A_22 = arith.constant 0 : i32
    %dma_start3A_23 = tpu.memref_slice %arg6[%dma_start3A_21, %dma_start3A_22] : memref<32x32xf32, #tpu.memory_space<vmem>> -> memref<1x32xf32, #tpu.memory_space<vmem>>
    %dma_start3A_24 = arith.constant 0 : i32
    %dma_start3A_25 = tpu.memref_slice %arg3[%squeeze3A_15, %dma_start3A_24] : memref<100000x32xf32, #tpu.memory_space<hbm>> -> memref<1x32xf32, #tpu.memory_space<hbm>>
    tpu.enqueue_dma source(%dma_start3A_25 : memref<1x32xf32, #tpu.memory_space<hbm>>) target(%dma_start3A_23 : memref<1x32xf32, #tpu.memory_space<vmem>>) target_semaphore(%arg7 : memref<!tpu.dma_semaphore, #tpu.memory_space<semaphore_mem>>)
    %slice3A_26 = vector.extract_strided_slice %get3A_4 {offsets = [2], sizes = [1], strides = [1]} : vector<16xi32> to vector<1xi32>
    %squeeze3A_27 = vector.extract %slice3A_26[0] : i32 from vector<1xi32>
    %dma_start3A_28 = arith.constant 2 : i32
    %dma_start3A_29 = arith.constant 0 : i32
    %dma_start3A_30 = tpu.memref_slice %arg6[%dma_start3A_28, %dma_start3A_29] : memref<32x32xf32, #tpu.memory_space<vmem>> -> memref<1x32xf32, #tpu.memory_space<vmem>>
    %dma_start3A_31 = arith.constant 0 : i32
    %dma_start3A_32 = tpu.memref_slice %arg3[%squeeze3A_27, %dma_start3A_31] : memref<100000x32xf32, #tpu.memory_space<hbm>> -> memref<1x32xf32, #tpu.memory_space<hbm>>
    %dma_start3A_33 = arith.constant 2 : i32
    %dma_start3A_34 = arith.constant 0 : i32
    %dma_start3A_35 = tpu.memref_slice %arg6[%dma_start3A_33, %dma_start3A_34] : memref<32x32xf32, #tpu.memory_space<vmem>> -> memref<1x32xf32, #tpu.memory_space<vmem>>
    %dma_start3A_36 = arith.constant 0 : i32
    %dma_start3A_37 = tpu.memref_slice %arg3[%squeeze3A_27, %dma_start3A_36] : memref<100000x32xf32, #tpu.memory_space<hbm>> -> memref<1x32xf32, #tpu.memory_space<hbm>>
    tpu.enqueue_dma source(%dma_start3A_37 : memref<1x32xf32, #tpu.memory_space<hbm>>) target(%dma_start3A_35 : memref<1x32xf32, #tpu.memory_space<vmem>>) target_semaphore(%arg7 : memref<!tpu.dma_semaphore, #tpu.memory_space<semaphore_mem>>)
    %slice3A_38 = vector.extract_strided_slice %get3A_4 {offsets = [3], sizes = [1], strides = [1]} : vector<16xi32> to vector<1xi32>
    %squeeze3A_39 = vector.extract %slice3A_38[0] : i32 from vector<1xi32>
    %dma_start3A_40 = arith.constant 3 : i32
    %dma_start3A_41 = arith.constant 0 : i32
    %dma_start3A_42 = tpu.memref_slice %arg6[%dma_start3A_40, %dma_start3A_41] : memref<32x32xf32, #tpu.memory_space<vmem>> -> memref<1x32xf32, #tpu.memory_space<vmem>>
    %dma_start3A_43 = arith.constant 0 : i32
    %dma_start3A_44 = tpu.memref_slice %arg3[%squeeze3A_39, %dma_start3A_43] : memref<100000x32xf32, #tpu.memory_space<hbm>> -> memref<1x32xf32, #tpu.memory_space<hbm>>
    %dma_start3A_45 = arith.constant 3 : i32
    %dma_start3A_46 = arith.constant 0 : i32
    %dma_start3A_47 = tpu.memref_slice %arg6[%dma_start3A_45, %dma_start3A_46] : memref<32x32xf32, #tpu.memory_space<vmem>> -> memref<1x32xf32, #tpu.memory_space<vmem>>
    %dma_start3A_48 = arith.constant 0 : i32
    %dma_start3A_49 = tpu.memref_slice %arg3[%squeeze3A_39, %dma_start3A_48] : memref<100000x32xf32, #tpu.memory_space<hbm>> -> memref<1x32xf32, #tpu.memory_space<hbm>>
    tpu.enqueue_dma source(%dma_start3A_49 : memref<1x32xf32, #tpu.memory_space<hbm>>) target(%dma_start3A_47 : memref<1x32xf32, #tpu.memory_space<vmem>>) target_semaphore(%arg7 : memref<!tpu.dma_semaphore, #tpu.memory_space<semaphore_mem>>)
    %slice3A_50 = vector.extract_strided_slice %get3A_4 {offsets = [4], sizes = [1], strides = [1]} : vector<16xi32> to vector<1xi32>
    %squeeze3A_51 = vector.extract %slice3A_50[0] : i32 from vector<1xi32>
    %dma_start3A_52 = arith.constant 4 : i32
    %dma_start3A_53 = arith.constant 0 : i32
    %dma_start3A_54 = tpu.memref_slice %arg6[%dma_start3A_52, %dma_start3A_53] : memref<32x32xf32, #tpu.memory_space<vmem>> -> memref<1x32xf32, #tpu.memory_space<vmem>>
    %dma_start3A_55 = arith.constant 0 : i32
    %dma_start3A_56 = tpu.memref_slice %arg3[%squeeze3A_51, %dma_start3A_55] : memref<100000x32xf32, #tpu.memory_space<hbm>> -> memref<1x32xf32, #tpu.memory_space<hbm>>
    %dma_start3A_57 = arith.constant 4 : i32
    %dma_start3A_58 = arith.constant 0 : i32
    %dma_start3A_59 = tpu.memref_slice %arg6[%dma_start3A_57, %dma_start3A_58] : memref<32x32xf32, #tpu.memory_space<vmem>> -> memref<1x32xf32, #tpu.memory_space<vmem>>
    %dma_start3A_60 = arith.constant 0 : i32
    %dma_start3A_61 = tpu.memref_slice %arg3[%squeeze3A_51, %dma_start3A_60] : memref<100000x32xf32, #tpu.memory_space<hbm>> -> memref<1x32xf32, #tpu.memory_space<hbm>>
    tpu.enqueue_dma source(%dma_start3A_61 : memref<1x32xf32, #tpu.memory_space<hbm>>) target(%dma_start3A_59 : memref<1x32xf32, #tpu.memory_space<vmem>>) target_semaphore(%arg7 : memref<!tpu.dma_semaphore, #tpu.memory_space<semaphore_mem>>)
    %slice3A_62 = vector.extract_strided_slice %get3A_4 {offsets = [5], sizes = [1], strides = [1]} : vector<16xi32> to vector<1xi32>
    %squeeze3A_63 = vector.extract %slice3A_62[0] : i32 from vector<1xi32>
    %dma_start3A_64 = arith.constant 5 : i32
    %dma_start3A_65 = arith.constant 0 : i32
    %dma_start3A_66 = tpu.memref_slice %arg6[%dma_start3A_64, %dma_start3A_65] : memref<32x32xf32, #tpu.memory_space<vmem>> -> memref<1x32xf32, #tpu.memory_space<vmem>>
    %dma_start3A_67 = arith.constant 0 : i32
    %dma_start3A_68 = tpu.memref_slice %arg3[%squeeze3A_63, %dma_start3A_67] : memref<100000x32xf32, #tpu.memory_space<hbm>> -> memref<1x32xf32, #tpu.memory_space<hbm>>
    %dma_start3A_69 = arith.constant 5 : i32
    %dma_start3A_70 = arith.constant 0 : i32
    %dma_start3A_71 = tpu.memref_slice %arg6[%dma_start3A_69, %dma_start3A_70] : memref<32x32xf32, #tpu.memory_space<vmem>> -> memref<1x32xf32, #tpu.memory_space<vmem>>
    %dma_start3A_72 = arith.constant 0 : i32
    %dma_start3A_73 = tpu.memref_slice %arg3[%squeeze3A_63, %dma_start3A_72] : memref<100000x32xf32, #tpu.memory_space<hbm>> -> memref<1x32xf32, #tpu.memory_space<hbm>>
    tpu.enqueue_dma source(%dma_start3A_73 : memref<1x32xf32, #tpu.memory_space<hbm>>) target(%dma_start3A_71 : memref<1x32xf32, #tpu.memory_space<vmem>>) target_semaphore(%arg7 : memref<!tpu.dma_semaphore, #tpu.memory_space<semaphore_mem>>)
    %slice3A_74 = vector.extract_strided_slice %get3A_4 {offsets = [6], sizes = [1], strides = [1]} : vector<16xi32> to vector<1xi32>
    %squeeze3A_75 = vector.extract %slice3A_74[0] : i32 from vector<1xi32>
    %dma_start3A_76 = arith.constant 6 : i32
    %dma_start3A_77 = arith.constant 0 : i32
    %dma_start3A_78 = tpu.memref_slice %arg6[%dma_start3A_76, %dma_start3A_77] : memref<32x32xf32, #tpu.memory_space<vmem>> -> memref<1x32xf32, #tpu.memory_space<vmem>>
    %dma_start3A_79 = arith.constant 0 : i32
    %dma_start3A_80 = tpu.memref_slice %arg3[%squeeze3A_75, %dma_start3A_79] : memref<100000x32xf32, #tpu.memory_space<hbm>> -> memref<1x32xf32, #tpu.memory_space<hbm>>
    %dma_start3A_81 = arith.constant 6 : i32
    %dma_start3A_82 = arith.constant 0 : i32
    %dma_start3A_83 = tpu.memref_slice %arg6[%dma_start3A_81, %dma_start3A_82] : memref<32x32xf32, #tpu.memory_space<vmem>> -> memref<1x32xf32, #tpu.memory_space<vmem>>
    %dma_start3A_84 = arith.constant 0 : i32
    %dma_start3A_85 = tpu.memref_slice %arg3[%squeeze3A_75, %dma_start3A_84] : memref<100000x32xf32, #tpu.memory_space<hbm>> -> memref<1x32xf32, #tpu.memory_space<hbm>>
    tpu.enqueue_dma source(%dma_start3A_85 : memref<1x32xf32, #tpu.memory_space<hbm>>) target(%dma_start3A_83 : memref<1x32xf32, #tpu.memory_space<vmem>>) target_semaphore(%arg7 : memref<!tpu.dma_semaphore, #tpu.memory_space<semaphore_mem>>)
    %slice3A_86 = vector.extract_strided_slice %get3A_4 {offsets = [7], sizes = [1], strides = [1]} : vector<16xi32> to vector<1xi32>
    %squeeze3A_87 = vector.extract %slice3A_86[0] : i32 from vector<1xi32>
    %dma_start3A_88 = arith.constant 7 : i32
    %dma_start3A_89 = arith.constant 0 : i32
    %dma_start3A_90 = tpu.memref_slice %arg6[%dma_start3A_88, %dma_start3A_89] : memref<32x32xf32, #tpu.memory_space<vmem>> -> memref<1x32xf32, #tpu.memory_space<vmem>>
    %dma_start3A_91 = arith.constant 0 : i32
    %dma_start3A_92 = tpu.memref_slice %arg3[%squeeze3A_87, %dma_start3A_91] : memref<100000x32xf32, #tpu.memory_space<hbm>> -> memref<1x32xf32, #tpu.memory_space<hbm>>
    %dma_start3A_93 = arith.constant 7 : i32
    %dma_start3A_94 = arith.constant 0 : i32
    %dma_start3A_95 = tpu.memref_slice %arg6[%dma_start3A_93, %dma_start3A_94] : memref<32x32xf32, #tpu.memory_space<vmem>> -> memref<1x32xf32, #tpu.memory_space<vmem>>
    %dma_start3A_96 = arith.constant 0 : i32
    %dma_start3A_97 = tpu.memref_slice %arg3[%squeeze3A_87, %dma_start3A_96] : memref<100000x32xf32, #tpu.memory_space<hbm>> -> memref<1x32xf32, #tpu.memory_space<hbm>>
    tpu.enqueue_dma source(%dma_start3A_97 : memref<1x32xf32, #tpu.memory_space<hbm>>) target(%dma_start3A_95 : memref<1x32xf32, #tpu.memory_space<vmem>>) target_semaphore(%arg7 : memref<!tpu.dma_semaphore, #tpu.memory_space<semaphore_mem>>)
    %slice3A_98 = vector.extract_strided_slice %get3A_4 {offsets = [8], sizes = [1], strides = [1]} : vector<16xi32> to vector<1xi32>
    %squeeze3A_99 = vector.extract %slice3A_98[0] : i32 from vector<1xi32>
    %dma_start3A_100 = arith.constant 8 : i32
    %dma_start3A_101 = arith.constant 0 : i32
    %dma_start3A_102 = tpu.memref_slice %arg6[%dma_start3A_100, %dma_start3A_101] : memref<32x32xf32, #tpu.memory_space<vmem>> -> memref<1x32xf32, #tpu.memory_space<vmem>>
    %dma_start3A_103 = arith.constant 0 : i32
    %dma_start3A_104 = tpu.memref_slice %arg3[%squeeze3A_99, %dma_start3A_103] : memref<100000x32xf32, #tpu.memory_space<hbm>> -> memref<1x32xf32, #tpu.memory_space<hbm>>
    %dma_start3A_105 = arith.constant 8 : i32
    %dma_start3A_106 = arith.constant 0 : i32
    %dma_start3A_107 = tpu.memref_slice %arg6[%dma_start3A_105, %dma_start3A_106] : memref<32x32xf32, #tpu.memory_space<vmem>> -> memref<1x32xf32, #tpu.memory_space<vmem>>
    %dma_start3A_108 = arith.constant 0 : i32
    %dma_start3A_109 = tpu.memref_slice %arg3[%squeeze3A_99, %dma_start3A_108] : memref<100000x32xf32, #tpu.memory_space<hbm>> -> memref<1x32xf32, #tpu.memory_space<hbm>>
    tpu.enqueue_dma source(%dma_start3A_109 : memref<1x32xf32, #tpu.memory_space<hbm>>) target(%dma_start3A_107 : memref<1x32xf32, #tpu.memory_space<vmem>>) target_semaphore(%arg7 : memref<!tpu.dma_semaphore, #tpu.memory_space<semaphore_mem>>)
    %slice3A_110 = vector.extract_strided_slice %get3A_4 {offsets = [9], sizes = [1], strides = [1]} : vector<16xi32> to vector<1xi32>
    %squeeze3A_111 = vector.extract %slice3A_110[0] : i32 from vector<1xi32>
    %dma_start3A_112 = arith.constant 9 : i32
    %dma_start3A_113 = arith.constant 0 : i32
    %dma_start3A_114 = tpu.memref_slice %arg6[%dma_start3A_112, %dma_start3A_113] : memref<32x32xf32, #tpu.memory_space<vmem>> -> memref<1x32xf32, #tpu.memory_space<vmem>>
    %dma_start3A_115 = arith.constant 0 : i32
    %dma_start3A_116 = tpu.memref_slice %arg3[%squeeze3A_111, %dma_start3A_115] : memref<100000x32xf32, #tpu.memory_space<hbm>> -> memref<1x32xf32, #tpu.memory_space<hbm>>
    %dma_start3A_117 = arith.constant 9 : i32
    %dma_start3A_118 = arith.constant 0 : i32
    %dma_start3A_119 = tpu.memref_slice %arg6[%dma_start3A_117, %dma_start3A_118] : memref<32x32xf32, #tpu.memory_space<vmem>> -> memref<1x32xf32, #tpu.memory_space<vmem>>
    %dma_start3A_120 = arith.constant 0 : i32
    %dma_start3A_121 = tpu.memref_slice %arg3[%squeeze3A_111, %dma_start3A_120] : memref<100000x32xf32, #tpu.memory_space<hbm>> -> memref<1x32xf32, #tpu.memory_space<hbm>>
    tpu.enqueue_dma source(%dma_start3A_121 : memref<1x32xf32, #tpu.memory_space<hbm>>) target(%dma_start3A_119 : memref<1x32xf32, #tpu.memory_space<vmem>>) target_semaphore(%arg7 : memref<!tpu.dma_semaphore, #tpu.memory_space<semaphore_mem>>)
    %slice3A_122 = vector.extract_strided_slice %get3A_4 {offsets = [10], sizes = [1], strides = [1]} : vector<16xi32> to vector<1xi32>
    %squeeze3A_123 = vector.extract %slice3A_122[0] : i32 from vector<1xi32>
    %dma_start3A_124 = arith.constant 10 : i32
    %dma_start3A_125 = arith.constant 0 : i32
    %dma_start3A_126 = tpu.memref_slice %arg6[%dma_start3A_124, %dma_start3A_125] : memref<32x32xf32, #tpu.memory_space<vmem>> -> memref<1x32xf32, #tpu.memory_space<vmem>>
    %dma_start3A_127 = arith.constant 0 : i32
    %dma_start3A_128 = tpu.memref_slice %arg3[%squeeze3A_123, %dma_start3A_127] : memref<100000x32xf32, #tpu.memory_space<hbm>> -> memref<1x32xf32, #tpu.memory_space<hbm>>
    %dma_start3A_129 = arith.constant 10 : i32
    %dma_start3A_130 = arith.constant 0 : i32
    %dma_start3A_131 = tpu.memref_slice %arg6[%dma_start3A_129, %dma_start3A_130] : memref<32x32xf32, #tpu.memory_space<vmem>> -> memref<1x32xf32, #tpu.memory_space<vmem>>
    %dma_start3A_132 = arith.constant 0 : i32
    %dma_start3A_133 = tpu.memref_slice %arg3[%squeeze3A_123, %dma_start3A_132] : memref<100000x32xf32, #tpu.memory_space<hbm>> -> memref<1x32xf32, #tpu.memory_space<hbm>>
    tpu.enqueue_dma source(%dma_start3A_133 : memref<1x32xf32, #tpu.memory_space<hbm>>) target(%dma_start3A_131 : memref<1x32xf32, #tpu.memory_space<vmem>>) target_semaphore(%arg7 : memref<!tpu.dma_semaphore, #tpu.memory_space<semaphore_mem>>)
    %slice3A_134 = vector.extract_strided_slice %get3A_4 {offsets = [11], sizes = [1], strides = [1]} : vector<16xi32> to vector<1xi32>
    %squeeze3A_135 = vector.extract %slice3A_134[0] : i32 from vector<1xi32>
    %dma_start3A_136 = arith.constant 11 : i32
    %dma_start3A_137 = arith.constant 0 : i32
    %dma_start3A_138 = tpu.memref_slice %arg6[%dma_start3A_136, %dma_start3A_137] : memref<32x32xf32, #tpu.memory_space<vmem>> -> memref<1x32xf32, #tpu.memory_space<vmem>>
    %dma_start3A_139 = arith.constant 0 : i32
    %dma_start3A_140 = tpu.memref_slice %arg3[%squeeze3A_135, %dma_start3A_139] : memref<100000x32xf32, #tpu.memory_space<hbm>> -> memref<1x32xf32, #tpu.memory_space<hbm>>
    %dma_start3A_141 = arith.constant 11 : i32
    %dma_start3A_142 = arith.constant 0 : i32
    %dma_start3A_143 = tpu.memref_slice %arg6[%dma_start3A_141, %dma_start3A_142] : memref<32x32xf32, #tpu.memory_space<vmem>> -> memref<1x32xf32, #tpu.memory_space<vmem>>
    %dma_start3A_144 = arith.constant 0 : i32
    %dma_start3A_145 = tpu.memref_slice %arg3[%squeeze3A_135, %dma_start3A_144] : memref<100000x32xf32, #tpu.memory_space<hbm>> -> memref<1x32xf32, #tpu.memory_space<hbm>>
    tpu.enqueue_dma source(%dma_start3A_145 : memref<1x32xf32, #tpu.memory_space<hbm>>) target(%dma_start3A_143 : memref<1x32xf32, #tpu.memory_space<vmem>>) target_semaphore(%arg7 : memref<!tpu.dma_semaphore, #tpu.memory_space<semaphore_mem>>)
    %slice3A_146 = vector.extract_strided_slice %get3A_4 {offsets = [12], sizes = [1], strides = [1]} : vector<16xi32> to vector<1xi32>
    %squeeze3A_147 = vector.extract %slice3A_146[0] : i32 from vector<1xi32>
    %dma_start3A_148 = arith.constant 12 : i32
    %dma_start3A_149 = arith.constant 0 : i32
    %dma_start3A_150 = tpu.memref_slice %arg6[%dma_start3A_148, %dma_start3A_149] : memref<32x32xf32, #tpu.memory_space<vmem>> -> memref<1x32xf32, #tpu.memory_space<vmem>>
    %dma_start3A_151 = arith.constant 0 : i32
    %dma_start3A_152 = tpu.memref_slice %arg3[%squeeze3A_147, %dma_start3A_151] : memref<100000x32xf32, #tpu.memory_space<hbm>> -> memref<1x32xf32, #tpu.memory_space<hbm>>
    %dma_start3A_153 = arith.constant 12 : i32
    %dma_start3A_154 = arith.constant 0 : i32
    %dma_start3A_155 = tpu.memref_slice %arg6[%dma_start3A_153, %dma_start3A_154] : memref<32x32xf32, #tpu.memory_space<vmem>> -> memref<1x32xf32, #tpu.memory_space<vmem>>
    %dma_start3A_156 = arith.constant 0 : i32
    %dma_start3A_157 = tpu.memref_slice %arg3[%squeeze3A_147, %dma_start3A_156] : memref<100000x32xf32, #tpu.memory_space<hbm>> -> memref<1x32xf32, #tpu.memory_space<hbm>>
    tpu.enqueue_dma source(%dma_start3A_157 : memref<1x32xf32, #tpu.memory_space<hbm>>) target(%dma_start3A_155 : memref<1x32xf32, #tpu.memory_space<vmem>>) target_semaphore(%arg7 : memref<!tpu.dma_semaphore, #tpu.memory_space<semaphore_mem>>)
    %slice3A_158 = vector.extract_strided_slice %get3A_4 {offsets = [13], sizes = [1], strides = [1]} : vector<16xi32> to vector<1xi32>
    %squeeze3A_159 = vector.extract %slice3A_158[0] : i32 from vector<1xi32>
    %dma_start3A_160 = arith.constant 13 : i32
    %dma_start3A_161 = arith.constant 0 : i32
    %dma_start3A_162 = tpu.memref_slice %arg6[%dma_start3A_160, %dma_start3A_161] : memref<32x32xf32, #tpu.memory_space<vmem>> -> memref<1x32xf32, #tpu.memory_space<vmem>>
    %dma_start3A_163 = arith.constant 0 : i32
    %dma_start3A_164 = tpu.memref_slice %arg3[%squeeze3A_159, %dma_start3A_163] : memref<100000x32xf32, #tpu.memory_space<hbm>> -> memref<1x32xf32, #tpu.memory_space<hbm>>
    %dma_start3A_165 = arith.constant 13 : i32
    %dma_start3A_166 = arith.constant 0 : i32
    %dma_start3A_167 = tpu.memref_slice %arg6[%dma_start3A_165, %dma_start3A_166] : memref<32x32xf32, #tpu.memory_space<vmem>> -> memref<1x32xf32, #tpu.memory_space<vmem>>
    %dma_start3A_168 = arith.constant 0 : i32
    %dma_start3A_169 = tpu.memref_slice %arg3[%squeeze3A_159, %dma_start3A_168] : memref<100000x32xf32, #tpu.memory_space<hbm>> -> memref<1x32xf32, #tpu.memory_space<hbm>>
    tpu.enqueue_dma source(%dma_start3A_169 : memref<1x32xf32, #tpu.memory_space<hbm>>) target(%dma_start3A_167 : memref<1x32xf32, #tpu.memory_space<vmem>>) target_semaphore(%arg7 : memref<!tpu.dma_semaphore, #tpu.memory_space<semaphore_mem>>)
    %slice3A_170 = vector.extract_strided_slice %get3A_4 {offsets = [14], sizes = [1], strides = [1]} : vector<16xi32> to vector<1xi32>
    %squeeze3A_171 = vector.extract %slice3A_170[0] : i32 from vector<1xi32>
    %dma_start3A_172 = arith.constant 14 : i32
    %dma_start3A_173 = arith.constant 0 : i32
    %dma_start3A_174 = tpu.memref_slice %arg6[%dma_start3A_172, %dma_start3A_173] : memref<32x32xf32, #tpu.memory_space<vmem>> -> memref<1x32xf32, #tpu.memory_space<vmem>>
    %dma_start3A_175 = arith.constant 0 : i32
    %dma_start3A_176 = tpu.memref_slice %arg3[%squeeze3A_171, %dma_start3A_175] : memref<100000x32xf32, #tpu.memory_space<hbm>> -> memref<1x32xf32, #tpu.memory_space<hbm>>
    %dma_start3A_177 = arith.constant 14 : i32
    %dma_start3A_178 = arith.constant 0 : i32
    %dma_start3A_179 = tpu.memref_slice %arg6[%dma_start3A_177, %dma_start3A_178] : memref<32x32xf32, #tpu.memory_space<vmem>> -> memref<1x32xf32, #tpu.memory_space<vmem>>
    %dma_start3A_180 = arith.constant 0 : i32
    %dma_start3A_181 = tpu.memref_slice %arg3[%squeeze3A_171, %dma_start3A_180] : memref<100000x32xf32, #tpu.memory_space<hbm>> -> memref<1x32xf32, #tpu.memory_space<hbm>>
    tpu.enqueue_dma source(%dma_start3A_181 : memref<1x32xf32, #tpu.memory_space<hbm>>) target(%dma_start3A_179 : memref<1x32xf32, #tpu.memory_space<vmem>>) target_semaphore(%arg7 : memref<!tpu.dma_semaphore, #tpu.memory_space<semaphore_mem>>)
    %slice3A_182 = vector.extract_strided_slice %get3A_4 {offsets = [15], sizes = [1], strides = [1]} : vector<16xi32> to vector<1xi32>
    %squeeze3A_183 = vector.extract %slice3A_182[0] : i32 from vector<1xi32>
    %dma_start3A_184 = arith.constant 15 : i32
    %dma_start3A_185 = arith.constant 0 : i32
    %dma_start3A_186 = tpu.memref_slice %arg6[%dma_start3A_184, %dma_start3A_185] : memref<32x32xf32, #tpu.memory_space<vmem>> -> memref<1x32xf32, #tpu.memory_space<vmem>>
    %dma_start3A_187 = arith.constant 0 : i32
    %dma_start3A_188 = tpu.memref_slice %arg3[%squeeze3A_183, %dma_start3A_187] : memref<100000x32xf32, #tpu.memory_space<hbm>> -> memref<1x32xf32, #tpu.memory_space<hbm>>
    %dma_start3A_189 = arith.constant 15 : i32
    %dma_start3A_190 = arith.constant 0 : i32
    %dma_start3A_191 = tpu.memref_slice %arg6[%dma_start3A_189, %dma_start3A_190] : memref<32x32xf32, #tpu.memory_space<vmem>> -> memref<1x32xf32, #tpu.memory_space<vmem>>
    %dma_start3A_192 = arith.constant 0 : i32
    %dma_start3A_193 = tpu.memref_slice %arg3[%squeeze3A_183, %dma_start3A_192] : memref<100000x32xf32, #tpu.memory_space<hbm>> -> memref<1x32xf32, #tpu.memory_space<hbm>>
    tpu.enqueue_dma source(%dma_start3A_193 : memref<1x32xf32, #tpu.memory_space<hbm>>) target(%dma_start3A_191 : memref<1x32xf32, #tpu.memory_space<vmem>>) target_semaphore(%arg7 : memref<!tpu.dma_semaphore, #tpu.memory_space<semaphore_mem>>)
    %get3A_194 = arith.constant 16 : index
    %get3A_195 = tpu.vector_load %arg5[%get3A_194] {strides = array<i32>} : memref<32xi32, #tpu.memory_space<vmem>>, vector<16xi32>,
    %get3A_196 = vector.shape_cast %get3A_195 : vector<16xi32> to vector<16xi32>
    %slice3A_197 = vector.extract_strided_slice %get3A_196 {offsets = [0], sizes = [1], strides = [1]} : vector<16xi32> to vector<1xi32>
    %squeeze3A_198 = vector.extract %slice3A_197[0] : i32 from vector<1xi32>
    %dma_start3A_199 = arith.constant 16 : i32
    %dma_start3A_200 = arith.constant 0 : i32
    %dma_start3A_201 = tpu.memref_slice %arg6[%dma_start3A_199, %dma_start3A_200] : memref<32x32xf32, #tpu.memory_space<vmem>> -> memref<1x32xf32, #tpu.memory_space<vmem>>
    %dma_start3A_202 = arith.constant 0 : i32
    %dma_start3A_203 = tpu.memref_slice %arg3[%squeeze3A_198, %dma_start3A_202] : memref<100000x32xf32, #tpu.memory_space<hbm>> -> memref<1x32xf32, #tpu.memory_space<hbm>>
    %dma_start3A_204 = arith.constant 16 : i32
    %dma_start3A_205 = arith.constant 0 : i32
    %dma_start3A_206 = tpu.memref_slice %arg6[%dma_start3A_204, %dma_start3A_205] : memref<32x32xf32, #tpu.memory_space<vmem>> -> memref<1x32xf32, #tpu.memory_space<vmem>>
    %dma_start3A_207 = arith.constant 0 : i32
    %dma_start3A_208 = tpu.memref_slice %arg3[%squeeze3A_198, %dma_start3A_207] : memref<100000x32xf32, #tpu.memory_space<hbm>> -> memref<1x32xf32, #tpu.memory_space<hbm>>
    tpu.enqueue_dma source(%dma_start3A_208 : memref<1x32xf32, #tpu.memory_space<hbm>>) target(%dma_start3A_206 : memref<1x32xf32, #tpu.memory_space<vmem>>) target_semaphore(%arg7 : memref<!tpu.dma_semaphore, #tpu.memory_space<semaphore_mem>>)
    %slice3A_209 = vector.extract_strided_slice %get3A_196 {offsets = [1], sizes = [1], strides = [1]} : vector<16xi32> to vector<1xi32>
    %squeeze3A_210 = vector.extract %slice3A_209[0] : i32 from vector<1xi32>
    %dma_start3A_211 = arith.constant 17 : i32
    %dma_start3A_212 = arith.constant 0 : i32
    %dma_start3A_213 = tpu.memref_slice %arg6[%dma_start3A_211, %dma_start3A_212] : memref<32x32xf32, #tpu.memory_space<vmem>> -> memref<1x32xf32, #tpu.memory_space<vmem>>
    %dma_start3A_214 = arith.constant 0 : i32
    %dma_start3A_215 = tpu.memref_slice %arg3[%squeeze3A_210, %dma_start3A_214] : memref<100000x32xf32, #tpu.memory_space<hbm>> -> memref<1x32xf32, #tpu.memory_space<hbm>>
    %dma_start3A_216 = arith.constant 17 : i32
    %dma_start3A_217 = arith.constant 0 : i32
    %dma_start3A_218 = tpu.memref_slice %arg6[%dma_start3A_216, %dma_start3A_217] : memref<32x32xf32, #tpu.memory_space<vmem>> -> memref<1x32xf32, #tpu.memory_space<vmem>>
    %dma_start3A_219 = arith.constant 0 : i32
    %dma_start3A_220 = tpu.memref_slice %arg3[%squeeze3A_210, %dma_start3A_219] : memref<100000x32xf32, #tpu.memory_space<hbm>> -> memref<1x32xf32, #tpu.memory_space<hbm>>
    tpu.enqueue_dma source(%dma_start3A_220 : memref<1x32xf32, #tpu.memory_space<hbm>>) target(%dma_start3A_218 : memref<1x32xf32, #tpu.memory_space<vmem>>) target_semaphore(%arg7 : memref<!tpu.dma_semaphore, #tpu.memory_space<semaphore_mem>>)
    %slice3A_221 = vector.extract_strided_slice %get3A_196 {offsets = [2], sizes = [1], strides = [1]} : vector<16xi32> to vector<1xi32>
    %squeeze3A_222 = vector.extract %slice3A_221[0] : i32 from vector<1xi32>
    %dma_start3A_223 = arith.constant 18 : i32
    %dma_start3A_224 = arith.constant 0 : i32
    %dma_start3A_225 = tpu.memref_slice %arg6[%dma_start3A_223, %dma_start3A_224] : memref<32x32xf32, #tpu.memory_space<vmem>> -> memref<1x32xf32, #tpu.memory_space<vmem>>
    %dma_start3A_226 = arith.constant 0 : i32
    %dma_start3A_227 = tpu.memref_slice %arg3[%squeeze3A_222, %dma_start3A_226] : memref<100000x32xf32, #tpu.memory_space<hbm>> -> memref<1x32xf32, #tpu.memory_space<hbm>>
    %dma_start3A_228 = arith.constant 18 : i32
    %dma_start3A_229 = arith.constant 0 : i32
    %dma_start3A_230 = tpu.memref_slice %arg6[%dma_start3A_228, %dma_start3A_229] : memref<32x32xf32, #tpu.memory_space<vmem>> -> memref<1x32xf32, #tpu.memory_space<vmem>>
    %dma_start3A_231 = arith.constant 0 : i32
    %dma_start3A_232 = tpu.memref_slice %arg3[%squeeze3A_222, %dma_start3A_231] : memref<100000x32xf32, #tpu.memory_space<hbm>> -> memref<1x32xf32, #tpu.memory_space<hbm>>
    tpu.enqueue_dma source(%dma_start3A_232 : memref<1x32xf32, #tpu.memory_space<hbm>>) target(%dma_start3A_230 : memref<1x32xf32, #tpu.memory_space<vmem>>) target_semaphore(%arg7 : memref<!tpu.dma_semaphore, #tpu.memory_space<semaphore_mem>>)
    %slice3A_233 = vector.extract_strided_slice %get3A_196 {offsets = [3], sizes = [1], strides = [1]} : vector<16xi32> to vector<1xi32>
    %squeeze3A_234 = vector.extract %slice3A_233[0] : i32 from vector<1xi32>
    %dma_start3A_235 = arith.constant 19 : i32
    %dma_start3A_236 = arith.constant 0 : i32
    %dma_start3A_237 = tpu.memref_slice %arg6[%dma_start3A_235, %dma_start3A_236] : memref<32x32xf32, #tpu.memory_space<vmem>> -> memref<1x32xf32, #tpu.memory_space<vmem>>
    %dma_start3A_238 = arith.constant 0 : i32
    %dma_start3A_239 = tpu.memref_slice %arg3[%squeeze3A_234, %dma_start3A_238] : memref<100000x32xf32, #tpu.memory_space<hbm>> -> memref<1x32xf32, #tpu.memory_space<hbm>>
    %dma_start3A_240 = arith.constant 19 : i32
    %dma_start3A_241 = arith.constant 0 : i32
    %dma_start3A_242 = tpu.memref_slice %arg6[%dma_start3A_240, %dma_start3A_241] : memref<32x32xf32, #tpu.memory_space<vmem>> -> memref<1x32xf32, #tpu.memory_space<vmem>>
    %dma_start3A_243 = arith.constant 0 : i32
    %dma_start3A_244 = tpu.memref_slice %arg3[%squeeze3A_234, %dma_start3A_243] : memref<100000x32xf32, #tpu.memory_space<hbm>> -> memref<1x32xf32, #tpu.memory_space<hbm>>
    tpu.enqueue_dma source(%dma_start3A_244 : memref<1x32xf32, #tpu.memory_space<hbm>>) target(%dma_start3A_242 : memref<1x32xf32, #tpu.memory_space<vmem>>) target_semaphore(%arg7 : memref<!tpu.dma_semaphore, #tpu.memory_space<semaphore_mem>>)
    %slice3A_245 = vector.extract_strided_slice %get3A_196 {offsets = [4], sizes = [1], strides = [1]} : vector<16xi32> to vector<1xi32>
    %squeeze3A_246 = vector.extract %slice3A_245[0] : i32 from vector<1xi32>
    %dma_start3A_247 = arith.constant 20 : i32
    %dma_start3A_248 = arith.constant 0 : i32
    %dma_start3A_249 = tpu.memref_slice %arg6[%dma_start3A_247, %dma_start3A_248] : memref<32x32xf32, #tpu.memory_space<vmem>> -> memref<1x32xf32, #tpu.memory_space<vmem>>
    %dma_start3A_250 = arith.constant 0 : i32
    %dma_start3A_251 = tpu.memref_slice %arg3[%squeeze3A_246, %dma_start3A_250] : memref<100000x32xf32, #tpu.memory_space<hbm>> -> memref<1x32xf32, #tpu.memory_space<hbm>>
    %dma_start3A_252 = arith.constant 20 : i32
    %dma_start3A_253 = arith.constant 0 : i32
    %dma_start3A_254 = tpu.memref_slice %arg6[%dma_start3A_252, %dma_start3A_253] : memref<32x32xf32, #tpu.memory_space<vmem>> -> memref<1x32xf32, #tpu.memory_space<vmem>>
    %dma_start3A_255 = arith.constant 0 : i32
    %dma_start3A_256 = tpu.memref_slice %arg3[%squeeze3A_246, %dma_start3A_255] : memref<100000x32xf32, #tpu.memory_space<hbm>> -> memref<1x32xf32, #tpu.memory_space<hbm>>
    tpu.enqueue_dma source(%dma_start3A_256 : memref<1x32xf32, #tpu.memory_space<hbm>>) target(%dma_start3A_254 : memref<1x32xf32, #tpu.memory_space<vmem>>) target_semaphore(%arg7 : memref<!tpu.dma_semaphore, #tpu.memory_space<semaphore_mem>>)
    %slice3A_257 = vector.extract_strided_slice %get3A_196 {offsets = [5], sizes = [1], strides = [1]} : vector<16xi32> to vector<1xi32>
    %squeeze3A_258 = vector.extract %slice3A_257[0] : i32 from vector<1xi32>
    %dma_start3A_259 = arith.constant 21 : i32
    %dma_start3A_260 = arith.constant 0 : i32
    %dma_start3A_261 = tpu.memref_slice %arg6[%dma_start3A_259, %dma_start3A_260] : memref<32x32xf32, #tpu.memory_space<vmem>> -> memref<1x32xf32, #tpu.memory_space<vmem>>
    %dma_start3A_262 = arith.constant 0 : i32
    %dma_start3A_263 = tpu.memref_slice %arg3[%squeeze3A_258, %dma_start3A_262] : memref<100000x32xf32, #tpu.memory_space<hbm>> -> memref<1x32xf32, #tpu.memory_space<hbm>>
    %dma_start3A_264 = arith.constant 21 : i32
    %dma_start3A_265 = arith.constant 0 : i32
    %dma_start3A_266 = tpu.memref_slice %arg6[%dma_start3A_264, %dma_start3A_265] : memref<32x32xf32, #tpu.memory_space<vmem>> -> memref<1x32xf32, #tpu.memory_space<vmem>>
    %dma_start3A_267 = arith.constant 0 : i32
    %dma_start3A_268 = tpu.memref_slice %arg3[%squeeze3A_258, %dma_start3A_267] : memref<100000x32xf32, #tpu.memory_space<hbm>> -> memref<1x32xf32, #tpu.memory_space<hbm>>
    tpu.enqueue_dma source(%dma_start3A_268 : memref<1x32xf32, #tpu.memory_space<hbm>>) target(%dma_start3A_266 : memref<1x32xf32, #tpu.memory_space<vmem>>) target_semaphore(%arg7 : memref<!tpu.dma_semaphore, #tpu.memory_space<semaphore_mem>>)
    %slice3A_269 = vector.extract_strided_slice %get3A_196 {offsets = [6], sizes = [1], strides = [1]} : vector<16xi32> to vector<1xi32>
    %squeeze3A_270 = vector.extract %slice3A_269[0] : i32 from vector<1xi32>
    %dma_start3A_271 = arith.constant 22 : i32
    %dma_start3A_272 = arith.constant 0 : i32
    %dma_start3A_273 = tpu.memref_slice %arg6[%dma_start3A_271, %dma_start3A_272] : memref<32x32xf32, #tpu.memory_space<vmem>> -> memref<1x32xf32, #tpu.memory_space<vmem>>
    %dma_start3A_274 = arith.constant 0 : i32
    %dma_start3A_275 = tpu.memref_slice %arg3[%squeeze3A_270, %dma_start3A_274] : memref<100000x32xf32, #tpu.memory_space<hbm>> -> memref<1x32xf32, #tpu.memory_space<hbm>>
    %dma_start3A_276 = arith.constant 22 : i32
    %dma_start3A_277 = arith.constant 0 : i32
    %dma_start3A_278 = tpu.memref_slice %arg6[%dma_start3A_276, %dma_start3A_277] : memref<32x32xf32, #tpu.memory_space<vmem>> -> memref<1x32xf32, #tpu.memory_space<vmem>>
    %dma_start3A_279 = arith.constant 0 : i32
    %dma_start3A_280 = tpu.memref_slice %arg3[%squeeze3A_270, %dma_start3A_279] : memref<100000x32xf32, #tpu.memory_space<hbm>> -> memref<1x32xf32, #tpu.memory_space<hbm>>
    tpu.enqueue_dma source(%dma_start3A_280 : memref<1x32xf32, #tpu.memory_space<hbm>>) target(%dma_start3A_278 : memref<1x32xf32, #tpu.memory_space<vmem>>) target_semaphore(%arg7 : memref<!tpu.dma_semaphore, #tpu.memory_space<semaphore_mem>>)
    %slice3A_281 = vector.extract_strided_slice %get3A_196 {offsets = [7], sizes = [1], strides = [1]} : vector<16xi32> to vector<1xi32>
    %squeeze3A_282 = vector.extract %slice3A_281[0] : i32 from vector<1xi32>
    %dma_start3A_283 = arith.constant 23 : i32
    %dma_start3A_284 = arith.constant 0 : i32
    %dma_start3A_285 = tpu.memref_slice %arg6[%dma_start3A_283, %dma_start3A_284] : memref<32x32xf32, #tpu.memory_space<vmem>> -> memref<1x32xf32, #tpu.memory_space<vmem>>
    %dma_start3A_286 = arith.constant 0 : i32
    %dma_start3A_287 = tpu.memref_slice %arg3[%squeeze3A_282, %dma_start3A_286] : memref<100000x32xf32, #tpu.memory_space<hbm>> -> memref<1x32xf32, #tpu.memory_space<hbm>>
    %dma_start3A_288 = arith.constant 23 : i32
    %dma_start3A_289 = arith.constant 0 : i32
    %dma_start3A_290 = tpu.memref_slice %arg6[%dma_start3A_288, %dma_start3A_289] : memref<32x32xf32, #tpu.memory_space<vmem>> -> memref<1x32xf32, #tpu.memory_space<vmem>>
    %dma_start3A_291 = arith.constant 0 : i32
    %dma_start3A_292 = tpu.memref_slice %arg3[%squeeze3A_282, %dma_start3A_291] : memref<100000x32xf32, #tpu.memory_space<hbm>> -> memref<1x32xf32, #tpu.memory_space<hbm>>
    tpu.enqueue_dma source(%dma_start3A_292 : memref<1x32xf32, #tpu.memory_space<hbm>>) target(%dma_start3A_290 : memref<1x32xf32, #tpu.memory_space<vmem>>) target_semaphore(%arg7 : memref<!tpu.dma_semaphore, #tpu.memory_space<semaphore_mem>>)
    %slice3A_293 = vector.extract_strided_slice %get3A_196 {offsets = [8], sizes = [1], strides = [1]} : vector<16xi32> to vector<1xi32>
    %squeeze3A_294 = vector.extract %slice3A_293[0] : i32 from vector<1xi32>
    %dma_start3A_295 = arith.constant 24 : i32
    %dma_start3A_296 = arith.constant 0 : i32
    %dma_start3A_297 = tpu.memref_slice %arg6[%dma_start3A_295, %dma_start3A_296] : memref<32x32xf32, #tpu.memory_space<vmem>> -> memref<1x32xf32, #tpu.memory_space<vmem>>
    %dma_start3A_298 = arith.constant 0 : i32
    %dma_start3A_299 = tpu.memref_slice %arg3[%squeeze3A_294, %dma_start3A_298] : memref<100000x32xf32, #tpu.memory_space<hbm>> -> memref<1x32xf32, #tpu.memory_space<hbm>>
    %dma_start3A_300 = arith.constant 24 : i32
    %dma_start3A_301 = arith.constant 0 : i32
    %dma_start3A_302 = tpu.memref_slice %arg6[%dma_start3A_300, %dma_start3A_301] : memref<32x32xf32, #tpu.memory_space<vmem>> -> memref<1x32xf32, #tpu.memory_space<vmem>>
    %dma_start3A_303 = arith.constant 0 : i32
    %dma_start3A_304 = tpu.memref_slice %arg3[%squeeze3A_294, %dma_start3A_303] : memref<100000x32xf32, #tpu.memory_space<hbm>> -> memref<1x32xf32, #tpu.memory_space<hbm>>
    tpu.enqueue_dma source(%dma_start3A_304 : memref<1x32xf32, #tpu.memory_space<hbm>>) target(%dma_start3A_302 : memref<1x32xf32, #tpu.memory_space<vmem>>) target_semaphore(%arg7 : memref<!tpu.dma_semaphore, #tpu.memory_space<semaphore_mem>>)
    %slice3A_305 = vector.extract_strided_slice %get3A_196 {offsets = [9], sizes = [1], strides = [1]} : vector<16xi32> to vector<1xi32>
    %squeeze3A_306 = vector.extract %slice3A_305[0] : i32 from vector<1xi32>
    %dma_start3A_307 = arith.constant 25 : i32
    %dma_start3A_308 = arith.constant 0 : i32
    %dma_start3A_309 = tpu.memref_slice %arg6[%dma_start3A_307, %dma_start3A_308] : memref<32x32xf32, #tpu.memory_space<vmem>> -> memref<1x32xf32, #tpu.memory_space<vmem>>
    %dma_start3A_310 = arith.constant 0 : i32
    %dma_start3A_311 = tpu.memref_slice %arg3[%squeeze3A_306, %dma_start3A_310] : memref<100000x32xf32, #tpu.memory_space<hbm>> -> memref<1x32xf32, #tpu.memory_space<hbm>>
    %dma_start3A_312 = arith.constant 25 : i32
    %dma_start3A_313 = arith.constant 0 : i32
    %dma_start3A_314 = tpu.memref_slice %arg6[%dma_start3A_312, %dma_start3A_313] : memref<32x32xf32, #tpu.memory_space<vmem>> -> memref<1x32xf32, #tpu.memory_space<vmem>>
    %dma_start3A_315 = arith.constant 0 : i32
    %dma_start3A_316 = tpu.memref_slice %arg3[%squeeze3A_306, %dma_start3A_315] : memref<100000x32xf32, #tpu.memory_space<hbm>> -> memref<1x32xf32, #tpu.memory_space<hbm>>
    tpu.enqueue_dma source(%dma_start3A_316 : memref<1x32xf32, #tpu.memory_space<hbm>>) target(%dma_start3A_314 : memref<1x32xf32, #tpu.memory_space<vmem>>) target_semaphore(%arg7 : memref<!tpu.dma_semaphore, #tpu.memory_space<semaphore_mem>>)
    %slice3A_317 = vector.extract_strided_slice %get3A_196 {offsets = [10], sizes = [1], strides = [1]} : vector<16xi32> to vector<1xi32>
    %squeeze3A_318 = vector.extract %slice3A_317[0] : i32 from vector<1xi32>
    %dma_start3A_319 = arith.constant 26 : i32
    %dma_start3A_320 = arith.constant 0 : i32
    %dma_start3A_321 = tpu.memref_slice %arg6[%dma_start3A_319, %dma_start3A_320] : memref<32x32xf32, #tpu.memory_space<vmem>> -> memref<1x32xf32, #tpu.memory_space<vmem>>
    %dma_start3A_322 = arith.constant 0 : i32
    %dma_start3A_323 = tpu.memref_slice %arg3[%squeeze3A_318, %dma_start3A_322] : memref<100000x32xf32, #tpu.memory_space<hbm>> -> memref<1x32xf32, #tpu.memory_space<hbm>>
    %dma_start3A_324 = arith.constant 26 : i32
    %dma_start3A_325 = arith.constant 0 : i32
    %dma_start3A_326 = tpu.memref_slice %arg6[%dma_start3A_324, %dma_start3A_325] : memref<32x32xf32, #tpu.memory_space<vmem>> -> memref<1x32xf32, #tpu.memory_space<vmem>>
    %dma_start3A_327 = arith.constant 0 : i32
    %dma_start3A_328 = tpu.memref_slice %arg3[%squeeze3A_318, %dma_start3A_327] : memref<100000x32xf32, #tpu.memory_space<hbm>> -> memref<1x32xf32, #tpu.memory_space<hbm>>
    tpu.enqueue_dma source(%dma_start3A_328 : memref<1x32xf32, #tpu.memory_space<hbm>>) target(%dma_start3A_326 : memref<1x32xf32, #tpu.memory_space<vmem>>) target_semaphore(%arg7 : memref<!tpu.dma_semaphore, #tpu.memory_space<semaphore_mem>>)
    %slice3A_329 = vector.extract_strided_slice %get3A_196 {offsets = [11], sizes = [1], strides = [1]} : vector<16xi32> to vector<1xi32>
    %squeeze3A_330 = vector.extract %slice3A_329[0] : i32 from vector<1xi32>
    %dma_start3A_331 = arith.constant 27 : i32
    %dma_start3A_332 = arith.constant 0 : i32
    %dma_start3A_333 = tpu.memref_slice %arg6[%dma_start3A_331, %dma_start3A_332] : memref<32x32xf32, #tpu.memory_space<vmem>> -> memref<1x32xf32, #tpu.memory_space<vmem>>
    %dma_start3A_334 = arith.constant 0 : i32
    %dma_start3A_335 = tpu.memref_slice %arg3[%squeeze3A_330, %dma_start3A_334] : memref<100000x32xf32, #tpu.memory_space<hbm>> -> memref<1x32xf32, #tpu.memory_space<hbm>>
    %dma_start3A_336 = arith.constant 27 : i32
    %dma_start3A_337 = arith.constant 0 : i32
    %dma_start3A_338 = tpu.memref_slice %arg6[%dma_start3A_336, %dma_start3A_337] : memref<32x32xf32, #tpu.memory_space<vmem>> -> memref<1x32xf32, #tpu.memory_space<vmem>>
    %dma_start3A_339 = arith.constant 0 : i32
    %dma_start3A_340 = tpu.memref_slice %arg3[%squeeze3A_330, %dma_start3A_339] : memref<100000x32xf32, #tpu.memory_space<hbm>> -> memref<1x32xf32, #tpu.memory_space<hbm>>
    tpu.enqueue_dma source(%dma_start3A_340 : memref<1x32xf32, #tpu.memory_space<hbm>>) target(%dma_start3A_338 : memref<1x32xf32, #tpu.memory_space<vmem>>) target_semaphore(%arg7 : memref<!tpu.dma_semaphore, #tpu.memory_space<semaphore_mem>>)
    %slice3A_341 = vector.extract_strided_slice %get3A_196 {offsets = [12], sizes = [1], strides = [1]} : vector<16xi32> to vector<1xi32>
    %squeeze3A_342 = vector.extract %slice3A_341[0] : i32 from vector<1xi32>
    %dma_start3A_343 = arith.constant 28 : i32
    %dma_start3A_344 = arith.constant 0 : i32
    %dma_start3A_345 = tpu.memref_slice %arg6[%dma_start3A_343, %dma_start3A_344] : memref<32x32xf32, #tpu.memory_space<vmem>> -> memref<1x32xf32, #tpu.memory_space<vmem>>
    %dma_start3A_346 = arith.constant 0 : i32
    %dma_start3A_347 = tpu.memref_slice %arg3[%squeeze3A_342, %dma_start3A_346] : memref<100000x32xf32, #tpu.memory_space<hbm>> -> memref<1x32xf32, #tpu.memory_space<hbm>>
    %dma_start3A_348 = arith.constant 28 : i32
    %dma_start3A_349 = arith.constant 0 : i32
    %dma_start3A_350 = tpu.memref_slice %arg6[%dma_start3A_348, %dma_start3A_349] : memref<32x32xf32, #tpu.memory_space<vmem>> -> memref<1x32xf32, #tpu.memory_space<vmem>>
    %dma_start3A_351 = arith.constant 0 : i32
    %dma_start3A_352 = tpu.memref_slice %arg3[%squeeze3A_342, %dma_start3A_351] : memref<100000x32xf32, #tpu.memory_space<hbm>> -> memref<1x32xf32, #tpu.memory_space<hbm>>
    tpu.enqueue_dma source(%dma_start3A_352 : memref<1x32xf32, #tpu.memory_space<hbm>>) target(%dma_start3A_350 : memref<1x32xf32, #tpu.memory_space<vmem>>) target_semaphore(%arg7 : memref<!tpu.dma_semaphore, #tpu.memory_space<semaphore_mem>>)
    %slice3A_353 = vector.extract_strided_slice %get3A_196 {offsets = [13], sizes = [1], strides = [1]} : vector<16xi32> to vector<1xi32>
    %squeeze3A_354 = vector.extract %slice3A_353[0] : i32 from vector<1xi32>
    %dma_start3A_355 = arith.constant 29 : i32
    %dma_start3A_356 = arith.constant 0 : i32
    %dma_start3A_357 = tpu.memref_slice %arg6[%dma_start3A_355, %dma_start3A_356] : memref<32x32xf32, #tpu.memory_space<vmem>> -> memref<1x32xf32, #tpu.memory_space<vmem>>
    %dma_start3A_358 = arith.constant 0 : i32
    %dma_start3A_359 = tpu.memref_slice %arg3[%squeeze3A_354, %dma_start3A_358] : memref<100000x32xf32, #tpu.memory_space<hbm>> -> memref<1x32xf32, #tpu.memory_space<hbm>>
    %dma_start3A_360 = arith.constant 29 : i32
    %dma_start3A_361 = arith.constant 0 : i32
    %dma_start3A_362 = tpu.memref_slice %arg6[%dma_start3A_360, %dma_start3A_361] : memref<32x32xf32, #tpu.memory_space<vmem>> -> memref<1x32xf32, #tpu.memory_space<vmem>>
    %dma_start3A_363 = arith.constant 0 : i32
    %dma_start3A_364 = tpu.memref_slice %arg3[%squeeze3A_354, %dma_start3A_363] : memref<100000x32xf32, #tpu.memory_space<hbm>> -> memref<1x32xf32, #tpu.memory_space<hbm>>
    tpu.enqueue_dma source(%dma_start3A_364 : memref<1x32xf32, #tpu.memory_space<hbm>>) target(%dma_start3A_362 : memref<1x32xf32, #tpu.memory_space<vmem>>) target_semaphore(%arg7 : memref<!tpu.dma_semaphore, #tpu.memory_space<semaphore_mem>>)
    %slice3A_365 = vector.extract_strided_slice %get3A_196 {offsets = [14], sizes = [1], strides = [1]} : vector<16xi32> to vector<1xi32>
    %squeeze3A_366 = vector.extract %slice3A_365[0] : i32 from vector<1xi32>
    %dma_start3A_367 = arith.constant 30 : i32
    %dma_start3A_368 = arith.constant 0 : i32
    %dma_start3A_369 = tpu.memref_slice %arg6[%dma_start3A_367, %dma_start3A_368] : memref<32x32xf32, #tpu.memory_space<vmem>> -> memref<1x32xf32, #tpu.memory_space<vmem>>
    %dma_start3A_370 = arith.constant 0 : i32
    %dma_start3A_371 = tpu.memref_slice %arg3[%squeeze3A_366, %dma_start3A_370] : memref<100000x32xf32, #tpu.memory_space<hbm>> -> memref<1x32xf32, #tpu.memory_space<hbm>>
    %dma_start3A_372 = arith.constant 30 : i32
    %dma_start3A_373 = arith.constant 0 : i32
    %dma_start3A_374 = tpu.memref_slice %arg6[%dma_start3A_372, %dma_start3A_373] : memref<32x32xf32, #tpu.memory_space<vmem>> -> memref<1x32xf32, #tpu.memory_space<vmem>>
    %dma_start3A_375 = arith.constant 0 : i32
    %dma_start3A_376 = tpu.memref_slice %arg3[%squeeze3A_366, %dma_start3A_375] : memref<100000x32xf32, #tpu.memory_space<hbm>> -> memref<1x32xf32, #tpu.memory_space<hbm>>
    tpu.enqueue_dma source(%dma_start3A_376 : memref<1x32xf32, #tpu.memory_space<hbm>>) target(%dma_start3A_374 : memref<1x32xf32, #tpu.memory_space<vmem>>) target_semaphore(%arg7 : memref<!tpu.dma_semaphore, #tpu.memory_space<semaphore_mem>>)
    %slice3A_377 = vector.extract_strided_slice %get3A_196 {offsets = [15], sizes = [1], strides = [1]} : vector<16xi32> to vector<1xi32>
    %squeeze3A_378 = vector.extract %slice3A_377[0] : i32 from vector<1xi32>
    %dma_start3A_379 = arith.constant 31 : i32
    %dma_start3A_380 = arith.constant 0 : i32
    %dma_start3A_381 = tpu.memref_slice %arg6[%dma_start3A_379, %dma_start3A_380] : memref<32x32xf32, #tpu.memory_space<vmem>> -> memref<1x32xf32, #tpu.memory_space<vmem>>
    %dma_start3A_382 = arith.constant 0 : i32
    %dma_start3A_383 = tpu.memref_slice %arg3[%squeeze3A_378, %dma_start3A_382] : memref<100000x32xf32, #tpu.memory_space<hbm>> -> memref<1x32xf32, #tpu.memory_space<hbm>>
    %dma_start3A_384 = arith.constant 31 : i32
    %dma_start3A_385 = arith.constant 0 : i32
    %dma_start3A_386 = tpu.memref_slice %arg6[%dma_start3A_384, %dma_start3A_385] : memref<32x32xf32, #tpu.memory_space<vmem>> -> memref<1x32xf32, #tpu.memory_space<vmem>>
    %dma_start3A_387 = arith.constant 0 : i32
    %dma_start3A_388 = tpu.memref_slice %arg3[%squeeze3A_378, %dma_start3A_387] : memref<100000x32xf32, #tpu.memory_space<hbm>> -> memref<1x32xf32, #tpu.memory_space<hbm>>
    tpu.enqueue_dma source(%dma_start3A_388 : memref<1x32xf32, #tpu.memory_space<hbm>>) target(%dma_start3A_386 : memref<1x32xf32, #tpu.memory_space<vmem>>) target_semaphore(%arg7 : memref<!tpu.dma_semaphore, #tpu.memory_space<semaphore_mem>>)
    %dma_wait3A = arith.constant 0 : i32
    %dma_wait3A_389 = arith.constant 0 : i32
    %dma_wait3A_390 = tpu.memref_slice %arg6[%dma_wait3A, %dma_wait3A_389] : memref<32x32xf32, #tpu.memory_space<vmem>> -> memref<1x32xf32, #tpu.memory_space<vmem>>
    %dma_wait3A_391 = arith.constant 0 : i32
    %dma_wait3A_392 = tpu.memref_slice %arg3[%squeeze3A, %dma_wait3A_391] : memref<100000x32xf32, #tpu.memory_space<hbm>> -> memref<1x32xf32, #tpu.memory_space<hbm>>
    %dma_wait3A_393 = arith.constant 0 : i32
    %dma_wait3A_394 = arith.constant 0 : i32
    %dma_wait3A_395 = tpu.memref_slice %arg6[%dma_wait3A_393, %dma_wait3A_394] : memref<32x32xf32, #tpu.memory_space<vmem>> -> memref<1x32xf32, #tpu.memory_space<vmem>>
    %dma_wait3A_396 = arith.constant 0 : i32
    %dma_wait3A_397 = tpu.memref_slice %arg3[%squeeze3A, %dma_wait3A_396] : memref<100000x32xf32, #tpu.memory_space<hbm>> -> memref<1x32xf32, #tpu.memory_space<hbm>>
    tpu.wait_dma2 semaphore(%arg7 : memref<!tpu.dma_semaphore, #tpu.memory_space<semaphore_mem>>) src(%dma_wait3A_397 : memref<1x32xf32, #tpu.memory_space<hbm>>) dst(%dma_wait3A_395 : memref<1x32xf32, #tpu.memory_space<vmem>>)
    %dma_wait3A_398 = arith.constant 1 : i32
    %dma_wait3A_399 = arith.constant 0 : i32
    %dma_wait3A_400 = tpu.memref_slice %arg6[%dma_wait3A_398, %dma_wait3A_399] : memref<32x32xf32, #tpu.memory_space<vmem>> -> memref<1x32xf32, #tpu.memory_space<vmem>>
    %dma_wait3A_401 = arith.constant 0 : i32
    %dma_wait3A_402 = tpu.memref_slice %arg3[%squeeze3A_15, %dma_wait3A_401] : memref<100000x32xf32, #tpu.memory_space<hbm>> -> memref<1x32xf32, #tpu.memory_space<hbm>>
    %dma_wait3A_403 = arith.constant 1 : i32
    %dma_wait3A_404 = arith.constant 0 : i32
    %dma_wait3A_405 = tpu.memref_slice %arg6[%dma_wait3A_403, %dma_wait3A_404] : memref<32x32xf32, #tpu.memory_space<vmem>> -> memref<1x32xf32, #tpu.memory_space<vmem>>
    %dma_wait3A_406 = arith.constant 0 : i32
    %dma_wait3A_407 = tpu.memref_slice %arg3[%squeeze3A_15, %dma_wait3A_406] : memref<100000x32xf32, #tpu.memory_space<hbm>> -> memref<1x32xf32, #tpu.memory_space<hbm>>
    tpu.wait_dma2 semaphore(%arg7 : memref<!tpu.dma_semaphore, #tpu.memory_space<semaphore_mem>>) src(%dma_wait3A_407 : memref<1x32xf32, #tpu.memory_space<hbm>>) dst(%dma_wait3A_405 : memref<1x32xf32, #tpu.memory_space<vmem>>)
    %dma_wait3A_408 = arith.constant 2 : i32
    %dma_wait3A_409 = arith.constant 0 : i32
    %dma_wait3A_410 = tpu.memref_slice %arg6[%dma_wait3A_408, %dma_wait3A_409] : memref<32x32xf32, #tpu.memory_space<vmem>> -> memref<1x32xf32, #tpu.memory_space<vmem>>
    %dma_wait3A_411 = arith.constant 0 : i32
    %dma_wait3A_412 = tpu.memref_slice %arg3[%squeeze3A_27, %dma_wait3A_411] : memref<100000x32xf32, #tpu.memory_space<hbm>> -> memref<1x32xf32, #tpu.memory_space<hbm>>
    %dma_wait3A_413 = arith.constant 2 : i32
    %dma_wait3A_414 = arith.constant 0 : i32
    %dma_wait3A_415 = tpu.memref_slice %arg6[%dma_wait3A_413, %dma_wait3A_414] : memref<32x32xf32, #tpu.memory_space<vmem>> -> memref<1x32xf32, #tpu.memory_space<vmem>>
    %dma_wait3A_416 = arith.constant 0 : i32
    %dma_wait3A_417 = tpu.memref_slice %arg3[%squeeze3A_27, %dma_wait3A_416] : memref<100000x32xf32, #tpu.memory_space<hbm>> -> memref<1x32xf32, #tpu.memory_space<hbm>>
    tpu.wait_dma2 semaphore(%arg7 : memref<!tpu.dma_semaphore, #tpu.memory_space<semaphore_mem>>) src(%dma_wait3A_417 : memref<1x32xf32, #tpu.memory_space<hbm>>) dst(%dma_wait3A_415 : memref<1x32xf32, #tpu.memory_space<vmem>>)
    %dma_wait3A_418 = arith.constant 3 : i32
    %dma_wait3A_419 = arith.constant 0 : i32
    %dma_wait3A_420 = tpu.memref_slice %arg6[%dma_wait3A_418, %dma_wait3A_419] : memref<32x32xf32, #tpu.memory_space<vmem>> -> memref<1x32xf32, #tpu.memory_space<vmem>>
    %dma_wait3A_421 = arith.constant 0 : i32
    %dma_wait3A_422 = tpu.memref_slice %arg3[%squeeze3A_39, %dma_wait3A_421] : memref<100000x32xf32, #tpu.memory_space<hbm>> -> memref<1x32xf32, #tpu.memory_space<hbm>>
    %dma_wait3A_423 = arith.constant 3 : i32
    %dma_wait3A_424 = arith.constant 0 : i32
    %dma_wait3A_425 = tpu.memref_slice %arg6[%dma_wait3A_423, %dma_wait3A_424] : memref<32x32xf32, #tpu.memory_space<vmem>> -> memref<1x32xf32, #tpu.memory_space<vmem>>
    %dma_wait3A_426 = arith.constant 0 : i32
    %dma_wait3A_427 = tpu.memref_slice %arg3[%squeeze3A_39, %dma_wait3A_426] : memref<100000x32xf32, #tpu.memory_space<hbm>> -> memref<1x32xf32, #tpu.memory_space<hbm>>
    tpu.wait_dma2 semaphore(%arg7 : memref<!tpu.dma_semaphore, #tpu.memory_space<semaphore_mem>>) src(%dma_wait3A_427 : memref<1x32xf32, #tpu.memory_space<hbm>>) dst(%dma_wait3A_425 : memref<1x32xf32, #tpu.memory_space<vmem>>)
    %dma_wait3A_428 = arith.constant 4 : i32
    %dma_wait3A_429 = arith.constant 0 : i32
    %dma_wait3A_430 = tpu.memref_slice %arg6[%dma_wait3A_428, %dma_wait3A_429] : memref<32x32xf32, #tpu.memory_space<vmem>> -> memref<1x32xf32, #tpu.memory_space<vmem>>
    %dma_wait3A_431 = arith.constant 0 : i32
    %dma_wait3A_432 = tpu.memref_slice %arg3[%squeeze3A_51, %dma_wait3A_431] : memref<100000x32xf32, #tpu.memory_space<hbm>> -> memref<1x32xf32, #tpu.memory_space<hbm>>
    %dma_wait3A_433 = arith.constant 4 : i32
    %dma_wait3A_434 = arith.constant 0 : i32
    %dma_wait3A_435 = tpu.memref_slice %arg6[%dma_wait3A_433, %dma_wait3A_434] : memref<32x32xf32, #tpu.memory_space<vmem>> -> memref<1x32xf32, #tpu.memory_space<vmem>>
    %dma_wait3A_436 = arith.constant 0 : i32
    %dma_wait3A_437 = tpu.memref_slice %arg3[%squeeze3A_51, %dma_wait3A_436] : memref<100000x32xf32, #tpu.memory_space<hbm>> -> memref<1x32xf32, #tpu.memory_space<hbm>>
    tpu.wait_dma2 semaphore(%arg7 : memref<!tpu.dma_semaphore, #tpu.memory_space<semaphore_mem>>) src(%dma_wait3A_437 : memref<1x32xf32, #tpu.memory_space<hbm>>) dst(%dma_wait3A_435 : memref<1x32xf32, #tpu.memory_space<vmem>>)
    %dma_wait3A_438 = arith.constant 5 : i32
    %dma_wait3A_439 = arith.constant 0 : i32
    %dma_wait3A_440 = tpu.memref_slice %arg6[%dma_wait3A_438, %dma_wait3A_439] : memref<32x32xf32, #tpu.memory_space<vmem>> -> memref<1x32xf32, #tpu.memory_space<vmem>>
    %dma_wait3A_441 = arith.constant 0 : i32
    %dma_wait3A_442 = tpu.memref_slice %arg3[%squeeze3A_63, %dma_wait3A_441] : memref<100000x32xf32, #tpu.memory_space<hbm>> -> memref<1x32xf32, #tpu.memory_space<hbm>>
    %dma_wait3A_443 = arith.constant 5 : i32
    %dma_wait3A_444 = arith.constant 0 : i32
    %dma_wait3A_445 = tpu.memref_slice %arg6[%dma_wait3A_443, %dma_wait3A_444] : memref<32x32xf32, #tpu.memory_space<vmem>> -> memref<1x32xf32, #tpu.memory_space<vmem>>
    %dma_wait3A_446 = arith.constant 0 : i32
    %dma_wait3A_447 = tpu.memref_slice %arg3[%squeeze3A_63, %dma_wait3A_446] : memref<100000x32xf32, #tpu.memory_space<hbm>> -> memref<1x32xf32, #tpu.memory_space<hbm>>
    tpu.wait_dma2 semaphore(%arg7 : memref<!tpu.dma_semaphore, #tpu.memory_space<semaphore_mem>>) src(%dma_wait3A_447 : memref<1x32xf32, #tpu.memory_space<hbm>>) dst(%dma_wait3A_445 : memref<1x32xf32, #tpu.memory_space<vmem>>)
    %dma_wait3A_448 = arith.constant 6 : i32
    %dma_wait3A_449 = arith.constant 0 : i32
    %dma_wait3A_450 = tpu.memref_slice %arg6[%dma_wait3A_448, %dma_wait3A_449] : memref<32x32xf32, #tpu.memory_space<vmem>> -> memref<1x32xf32, #tpu.memory_space<vmem>>
    %dma_wait3A_451 = arith.constant 0 : i32
    %dma_wait3A_452 = tpu.memref_slice %arg3[%squeeze3A_75, %dma_wait3A_451] : memref<100000x32xf32, #tpu.memory_space<hbm>> -> memref<1x32xf32, #tpu.memory_space<hbm>>
    %dma_wait3A_453 = arith.constant 6 : i32
    %dma_wait3A_454 = arith.constant 0 : i32
    %dma_wait3A_455 = tpu.memref_slice %arg6[%dma_wait3A_453, %dma_wait3A_454] : memref<32x32xf32, #tpu.memory_space<vmem>> -> memref<1x32xf32, #tpu.memory_space<vmem>>
    %dma_wait3A_456 = arith.constant 0 : i32
    %dma_wait3A_457 = tpu.memref_slice %arg3[%squeeze3A_75, %dma_wait3A_456] : memref<100000x32xf32, #tpu.memory_space<hbm>> -> memref<1x32xf32, #tpu.memory_space<hbm>>
    tpu.wait_dma2 semaphore(%arg7 : memref<!tpu.dma_semaphore, #tpu.memory_space<semaphore_mem>>) src(%dma_wait3A_457 : memref<1x32xf32, #tpu.memory_space<hbm>>) dst(%dma_wait3A_455 : memref<1x32xf32, #tpu.memory_space<vmem>>)
    %dma_wait3A_458 = arith.constant 7 : i32
    %dma_wait3A_459 = arith.constant 0 : i32
    %dma_wait3A_460 = tpu.memref_slice %arg6[%dma_wait3A_458, %dma_wait3A_459] : memref<32x32xf32, #tpu.memory_space<vmem>> -> memref<1x32xf32, #tpu.memory_space<vmem>>
    %dma_wait3A_461 = arith.constant 0 : i32
    %dma_wait3A_462 = tpu.memref_slice %arg3[%squeeze3A_87, %dma_wait3A_461] : memref<100000x32xf32, #tpu.memory_space<hbm>> -> memref<1x32xf32, #tpu.memory_space<hbm>>
    %dma_wait3A_463 = arith.constant 7 : i32
    %dma_wait3A_464 = arith.constant 0 : i32
    %dma_wait3A_465 = tpu.memref_slice %arg6[%dma_wait3A_463, %dma_wait3A_464] : memref<32x32xf32, #tpu.memory_space<vmem>> -> memref<1x32xf32, #tpu.memory_space<vmem>>
    %dma_wait3A_466 = arith.constant 0 : i32
    %dma_wait3A_467 = tpu.memref_slice %arg3[%squeeze3A_87, %dma_wait3A_466] : memref<100000x32xf32, #tpu.memory_space<hbm>> -> memref<1x32xf32, #tpu.memory_space<hbm>>
    tpu.wait_dma2 semaphore(%arg7 : memref<!tpu.dma_semaphore, #tpu.memory_space<semaphore_mem>>) src(%dma_wait3A_467 : memref<1x32xf32, #tpu.memory_space<hbm>>) dst(%dma_wait3A_465 : memref<1x32xf32, #tpu.memory_space<vmem>>)
    %dma_wait3A_468 = arith.constant 8 : i32
    %dma_wait3A_469 = arith.constant 0 : i32
    %dma_wait3A_470 = tpu.memref_slice %arg6[%dma_wait3A_468, %dma_wait3A_469] : memref<32x32xf32, #tpu.memory_space<vmem>> -> memref<1x32xf32, #tpu.memory_space<vmem>>
    %dma_wait3A_471 = arith.constant 0 : i32
    %dma_wait3A_472 = tpu.memref_slice %arg3[%squeeze3A_99, %dma_wait3A_471] : memref<100000x32xf32, #tpu.memory_space<hbm>> -> memref<1x32xf32, #tpu.memory_space<hbm>>
    %dma_wait3A_473 = arith.constant 8 : i32
    %dma_wait3A_474 = arith.constant 0 : i32
    %dma_wait3A_475 = tpu.memref_slice %arg6[%dma_wait3A_473, %dma_wait3A_474] : memref<32x32xf32, #tpu.memory_space<vmem>> -> memref<1x32xf32, #tpu.memory_space<vmem>>
    %dma_wait3A_476 = arith.constant 0 : i32
    %dma_wait3A_477 = tpu.memref_slice %arg3[%squeeze3A_99, %dma_wait3A_476] : memref<100000x32xf32, #tpu.memory_space<hbm>> -> memref<1x32xf32, #tpu.memory_space<hbm>>
    tpu.wait_dma2 semaphore(%arg7 : memref<!tpu.dma_semaphore, #tpu.memory_space<semaphore_mem>>) src(%dma_wait3A_477 : memref<1x32xf32, #tpu.memory_space<hbm>>) dst(%dma_wait3A_475 : memref<1x32xf32, #tpu.memory_space<vmem>>)
    %dma_wait3A_478 = arith.constant 9 : i32
    %dma_wait3A_479 = arith.constant 0 : i32
    %dma_wait3A_480 = tpu.memref_slice %arg6[%dma_wait3A_478, %dma_wait3A_479] : memref<32x32xf32, #tpu.memory_space<vmem>> -> memref<1x32xf32, #tpu.memory_space<vmem>>
    %dma_wait3A_481 = arith.constant 0 : i32
    %dma_wait3A_482 = tpu.memref_slice %arg3[%squeeze3A_111, %dma_wait3A_481] : memref<100000x32xf32, #tpu.memory_space<hbm>> -> memref<1x32xf32, #tpu.memory_space<hbm>>
    %dma_wait3A_483 = arith.constant 9 : i32
    %dma_wait3A_484 = arith.constant 0 : i32
    %dma_wait3A_485 = tpu.memref_slice %arg6[%dma_wait3A_483, %dma_wait3A_484] : memref<32x32xf32, #tpu.memory_space<vmem>> -> memref<1x32xf32, #tpu.memory_space<vmem>>
    %dma_wait3A_486 = arith.constant 0 : i32
    %dma_wait3A_487 = tpu.memref_slice %arg3[%squeeze3A_111, %dma_wait3A_486] : memref<100000x32xf32, #tpu.memory_space<hbm>> -> memref<1x32xf32, #tpu.memory_space<hbm>>
    tpu.wait_dma2 semaphore(%arg7 : memref<!tpu.dma_semaphore, #tpu.memory_space<semaphore_mem>>) src(%dma_wait3A_487 : memref<1x32xf32, #tpu.memory_space<hbm>>) dst(%dma_wait3A_485 : memref<1x32xf32, #tpu.memory_space<vmem>>)
    %dma_wait3A_488 = arith.constant 10 : i32
    %dma_wait3A_489 = arith.constant 0 : i32
    %dma_wait3A_490 = tpu.memref_slice %arg6[%dma_wait3A_488, %dma_wait3A_489] : memref<32x32xf32, #tpu.memory_space<vmem>> -> memref<1x32xf32, #tpu.memory_space<vmem>>
    %dma_wait3A_491 = arith.constant 0 : i32
    %dma_wait3A_492 = tpu.memref_slice %arg3[%squeeze3A_123, %dma_wait3A_491] : memref<100000x32xf32, #tpu.memory_space<hbm>> -> memref<1x32xf32, #tpu.memory_space<hbm>>
    %dma_wait3A_493 = arith.constant 10 : i32
    %dma_wait3A_494 = arith.constant 0 : i32
    %dma_wait3A_495 = tpu.memref_slice %arg6[%dma_wait3A_493, %dma_wait3A_494] : memref<32x32xf32, #tpu.memory_space<vmem>> -> memref<1x32xf32, #tpu.memory_space<vmem>>
    %dma_wait3A_496 = arith.constant 0 : i32
    %dma_wait3A_497 = tpu.memref_slice %arg3[%squeeze3A_123, %dma_wait3A_496] : memref<100000x32xf32, #tpu.memory_space<hbm>> -> memref<1x32xf32, #tpu.memory_space<hbm>>
    tpu.wait_dma2 semaphore(%arg7 : memref<!tpu.dma_semaphore, #tpu.memory_space<semaphore_mem>>) src(%dma_wait3A_497 : memref<1x32xf32, #tpu.memory_space<hbm>>) dst(%dma_wait3A_495 : memref<1x32xf32, #tpu.memory_space<vmem>>)
    %dma_wait3A_498 = arith.constant 11 : i32
    %dma_wait3A_499 = arith.constant 0 : i32
    %dma_wait3A_500 = tpu.memref_slice %arg6[%dma_wait3A_498, %dma_wait3A_499] : memref<32x32xf32, #tpu.memory_space<vmem>> -> memref<1x32xf32, #tpu.memory_space<vmem>>
    %dma_wait3A_501 = arith.constant 0 : i32
    %dma_wait3A_502 = tpu.memref_slice %arg3[%squeeze3A_135, %dma_wait3A_501] : memref<100000x32xf32, #tpu.memory_space<hbm>> -> memref<1x32xf32, #tpu.memory_space<hbm>>
    %dma_wait3A_503 = arith.constant 11 : i32
    %dma_wait3A_504 = arith.constant 0 : i32
    %dma_wait3A_505 = tpu.memref_slice %arg6[%dma_wait3A_503, %dma_wait3A_504] : memref<32x32xf32, #tpu.memory_space<vmem>> -> memref<1x32xf32, #tpu.memory_space<vmem>>
    %dma_wait3A_506 = arith.constant 0 : i32
    %dma_wait3A_507 = tpu.memref_slice %arg3[%squeeze3A_135, %dma_wait3A_506] : memref<100000x32xf32, #tpu.memory_space<hbm>> -> memref<1x32xf32, #tpu.memory_space<hbm>>
    tpu.wait_dma2 semaphore(%arg7 : memref<!tpu.dma_semaphore, #tpu.memory_space<semaphore_mem>>) src(%dma_wait3A_507 : memref<1x32xf32, #tpu.memory_space<hbm>>) dst(%dma_wait3A_505 : memref<1x32xf32, #tpu.memory_space<vmem>>)
    %dma_wait3A_508 = arith.constant 12 : i32
    %dma_wait3A_509 = arith.constant 0 : i32
    %dma_wait3A_510 = tpu.memref_slice %arg6[%dma_wait3A_508, %dma_wait3A_509] : memref<32x32xf32, #tpu.memory_space<vmem>> -> memref<1x32xf32, #tpu.memory_space<vmem>>
    %dma_wait3A_511 = arith.constant 0 : i32
    %dma_wait3A_512 = tpu.memref_slice %arg3[%squeeze3A_147, %dma_wait3A_511] : memref<100000x32xf32, #tpu.memory_space<hbm>> -> memref<1x32xf32, #tpu.memory_space<hbm>>
    %dma_wait3A_513 = arith.constant 12 : i32
    %dma_wait3A_514 = arith.constant 0 : i32
    %dma_wait3A_515 = tpu.memref_slice %arg6[%dma_wait3A_513, %dma_wait3A_514] : memref<32x32xf32, #tpu.memory_space<vmem>> -> memref<1x32xf32, #tpu.memory_space<vmem>>
    %dma_wait3A_516 = arith.constant 0 : i32
    %dma_wait3A_517 = tpu.memref_slice %arg3[%squeeze3A_147, %dma_wait3A_516] : memref<100000x32xf32, #tpu.memory_space<hbm>> -> memref<1x32xf32, #tpu.memory_space<hbm>>
    tpu.wait_dma2 semaphore(%arg7 : memref<!tpu.dma_semaphore, #tpu.memory_space<semaphore_mem>>) src(%dma_wait3A_517 : memref<1x32xf32, #tpu.memory_space<hbm>>) dst(%dma_wait3A_515 : memref<1x32xf32, #tpu.memory_space<vmem>>)
    %dma_wait3A_518 = arith.constant 13 : i32
    %dma_wait3A_519 = arith.constant 0 : i32
    %dma_wait3A_520 = tpu.memref_slice %arg6[%dma_wait3A_518, %dma_wait3A_519] : memref<32x32xf32, #tpu.memory_space<vmem>> -> memref<1x32xf32, #tpu.memory_space<vmem>>
    %dma_wait3A_521 = arith.constant 0 : i32
    %dma_wait3A_522 = tpu.memref_slice %arg3[%squeeze3A_159, %dma_wait3A_521] : memref<100000x32xf32, #tpu.memory_space<hbm>> -> memref<1x32xf32, #tpu.memory_space<hbm>>
    %dma_wait3A_523 = arith.constant 13 : i32
    %dma_wait3A_524 = arith.constant 0 : i32
    %dma_wait3A_525 = tpu.memref_slice %arg6[%dma_wait3A_523, %dma_wait3A_524] : memref<32x32xf32, #tpu.memory_space<vmem>> -> memref<1x32xf32, #tpu.memory_space<vmem>>
    %dma_wait3A_526 = arith.constant 0 : i32
    %dma_wait3A_527 = tpu.memref_slice %arg3[%squeeze3A_159, %dma_wait3A_526] : memref<100000x32xf32, #tpu.memory_space<hbm>> -> memref<1x32xf32, #tpu.memory_space<hbm>>
    tpu.wait_dma2 semaphore(%arg7 : memref<!tpu.dma_semaphore, #tpu.memory_space<semaphore_mem>>) src(%dma_wait3A_527 : memref<1x32xf32, #tpu.memory_space<hbm>>) dst(%dma_wait3A_525 : memref<1x32xf32, #tpu.memory_space<vmem>>)
    %dma_wait3A_528 = arith.constant 14 : i32
    %dma_wait3A_529 = arith.constant 0 : i32
    %dma_wait3A_530 = tpu.memref_slice %arg6[%dma_wait3A_528, %dma_wait3A_529] : memref<32x32xf32, #tpu.memory_space<vmem>> -> memref<1x32xf32, #tpu.memory_space<vmem>>
    %dma_wait3A_531 = arith.constant 0 : i32
    %dma_wait3A_532 = tpu.memref_slice %arg3[%squeeze3A_171, %dma_wait3A_531] : memref<100000x32xf32, #tpu.memory_space<hbm>> -> memref<1x32xf32, #tpu.memory_space<hbm>>
    %dma_wait3A_533 = arith.constant 14 : i32
    %dma_wait3A_534 = arith.constant 0 : i32
    %dma_wait3A_535 = tpu.memref_slice %arg6[%dma_wait3A_533, %dma_wait3A_534] : memref<32x32xf32, #tpu.memory_space<vmem>> -> memref<1x32xf32, #tpu.memory_space<vmem>>
    %dma_wait3A_536 = arith.constant 0 : i32
    %dma_wait3A_537 = tpu.memref_slice %arg3[%squeeze3A_171, %dma_wait3A_536] : memref<100000x32xf32, #tpu.memory_space<hbm>> -> memref<1x32xf32, #tpu.memory_space<hbm>>
    tpu.wait_dma2 semaphore(%arg7 : memref<!tpu.dma_semaphore, #tpu.memory_space<semaphore_mem>>) src(%dma_wait3A_537 : memref<1x32xf32, #tpu.memory_space<hbm>>) dst(%dma_wait3A_535 : memref<1x32xf32, #tpu.memory_space<vmem>>)
    %dma_wait3A_538 = arith.constant 15 : i32
    %dma_wait3A_539 = arith.constant 0 : i32
    %dma_wait3A_540 = tpu.memref_slice %arg6[%dma_wait3A_538, %dma_wait3A_539] : memref<32x32xf32, #tpu.memory_space<vmem>> -> memref<1x32xf32, #tpu.memory_space<vmem>>
    %dma_wait3A_541 = arith.constant 0 : i32
    %dma_wait3A_542 = tpu.memref_slice %arg3[%squeeze3A_183, %dma_wait3A_541] : memref<100000x32xf32, #tpu.memory_space<hbm>> -> memref<1x32xf32, #tpu.memory_space<hbm>>
    %dma_wait3A_543 = arith.constant 15 : i32
    %dma_wait3A_544 = arith.constant 0 : i32
    %dma_wait3A_545 = tpu.memref_slice %arg6[%dma_wait3A_543, %dma_wait3A_544] : memref<32x32xf32, #tpu.memory_space<vmem>> -> memref<1x32xf32, #tpu.memory_space<vmem>>
    %dma_wait3A_546 = arith.constant 0 : i32
    %dma_wait3A_547 = tpu.memref_slice %arg3[%squeeze3A_183, %dma_wait3A_546] : memref<100000x32xf32, #tpu.memory_space<hbm>> -> memref<1x32xf32, #tpu.memory_space<hbm>>
    tpu.wait_dma2 semaphore(%arg7 : memref<!tpu.dma_semaphore, #tpu.memory_space<semaphore_mem>>) src(%dma_wait3A_547 : memref<1x32xf32, #tpu.memory_space<hbm>>) dst(%dma_wait3A_545 : memref<1x32xf32, #tpu.memory_space<vmem>>)
    %dma_wait3A_548 = arith.constant 16 : i32
    %dma_wait3A_549 = arith.constant 0 : i32
    %dma_wait3A_550 = tpu.memref_slice %arg6[%dma_wait3A_548, %dma_wait3A_549] : memref<32x32xf32, #tpu.memory_space<vmem>> -> memref<1x32xf32, #tpu.memory_space<vmem>>
    %dma_wait3A_551 = arith.constant 0 : i32
    %dma_wait3A_552 = tpu.memref_slice %arg3[%squeeze3A_198, %dma_wait3A_551] : memref<100000x32xf32, #tpu.memory_space<hbm>> -> memref<1x32xf32, #tpu.memory_space<hbm>>
    %dma_wait3A_553 = arith.constant 16 : i32
    %dma_wait3A_554 = arith.constant 0 : i32
    %dma_wait3A_555 = tpu.memref_slice %arg6[%dma_wait3A_553, %dma_wait3A_554] : memref<32x32xf32, #tpu.memory_space<vmem>> -> memref<1x32xf32, #tpu.memory_space<vmem>>
    %dma_wait3A_556 = arith.constant 0 : i32
    %dma_wait3A_557 = tpu.memref_slice %arg3[%squeeze3A_198, %dma_wait3A_556] : memref<100000x32xf32, #tpu.memory_space<hbm>> -> memref<1x32xf32, #tpu.memory_space<hbm>>
    tpu.wait_dma2 semaphore(%arg7 : memref<!tpu.dma_semaphore, #tpu.memory_space<semaphore_mem>>) src(%dma_wait3A_557 : memref<1x32xf32, #tpu.memory_space<hbm>>) dst(%dma_wait3A_555 : memref<1x32xf32, #tpu.memory_space<vmem>>)
    %dma_wait3A_558 = arith.constant 17 : i32
    %dma_wait3A_559 = arith.constant 0 : i32
    %dma_wait3A_560 = tpu.memref_slice %arg6[%dma_wait3A_558, %dma_wait3A_559] : memref<32x32xf32, #tpu.memory_space<vmem>> -> memref<1x32xf32, #tpu.memory_space<vmem>>
    %dma_wait3A_561 = arith.constant 0 : i32
    %dma_wait3A_562 = tpu.memref_slice %arg3[%squeeze3A_210, %dma_wait3A_561] : memref<100000x32xf32, #tpu.memory_space<hbm>> -> memref<1x32xf32, #tpu.memory_space<hbm>>
    %dma_wait3A_563 = arith.constant 17 : i32
    %dma_wait3A_564 = arith.constant 0 : i32
    %dma_wait3A_565 = tpu.memref_slice %arg6[%dma_wait3A_563, %dma_wait3A_564] : memref<32x32xf32, #tpu.memory_space<vmem>> -> memref<1x32xf32, #tpu.memory_space<vmem>>
    %dma_wait3A_566 = arith.constant 0 : i32
    %dma_wait3A_567 = tpu.memref_slice %arg3[%squeeze3A_210, %dma_wait3A_566] : memref<100000x32xf32, #tpu.memory_space<hbm>> -> memref<1x32xf32, #tpu.memory_space<hbm>>
    tpu.wait_dma2 semaphore(%arg7 : memref<!tpu.dma_semaphore, #tpu.memory_space<semaphore_mem>>) src(%dma_wait3A_567 : memref<1x32xf32, #tpu.memory_space<hbm>>) dst(%dma_wait3A_565 : memref<1x32xf32, #tpu.memory_space<vmem>>)
    %dma_wait3A_568 = arith.constant 18 : i32
    %dma_wait3A_569 = arith.constant 0 : i32
    %dma_wait3A_570 = tpu.memref_slice %arg6[%dma_wait3A_568, %dma_wait3A_569] : memref<32x32xf32, #tpu.memory_space<vmem>> -> memref<1x32xf32, #tpu.memory_space<vmem>>
    %dma_wait3A_571 = arith.constant 0 : i32
    %dma_wait3A_572 = tpu.memref_slice %arg3[%squeeze3A_222, %dma_wait3A_571] : memref<100000x32xf32, #tpu.memory_space<hbm>> -> memref<1x32xf32, #tpu.memory_space<hbm>>
    %dma_wait3A_573 = arith.constant 18 : i32
    %dma_wait3A_574 = arith.constant 0 : i32
    %dma_wait3A_575 = tpu.memref_slice %arg6[%dma_wait3A_573, %dma_wait3A_574] : memref<32x32xf32, #tpu.memory_space<vmem>> -> memref<1x32xf32, #tpu.memory_space<vmem>>
    %dma_wait3A_576 = arith.constant 0 : i32
    %dma_wait3A_577 = tpu.memref_slice %arg3[%squeeze3A_222, %dma_wait3A_576] : memref<100000x32xf32, #tpu.memory_space<hbm>> -> memref<1x32xf32, #tpu.memory_space<hbm>>
    tpu.wait_dma2 semaphore(%arg7 : memref<!tpu.dma_semaphore, #tpu.memory_space<semaphore_mem>>) src(%dma_wait3A_577 : memref<1x32xf32, #tpu.memory_space<hbm>>) dst(%dma_wait3A_575 : memref<1x32xf32, #tpu.memory_space<vmem>>)
    %dma_wait3A_578 = arith.constant 19 : i32
    %dma_wait3A_579 = arith.constant 0 : i32
    %dma_wait3A_580 = tpu.memref_slice %arg6[%dma_wait3A_578, %dma_wait3A_579] : memref<32x32xf32, #tpu.memory_space<vmem>> -> memref<1x32xf32, #tpu.memory_space<vmem>>
    %dma_wait3A_581 = arith.constant 0 : i32
    %dma_wait3A_582 = tpu.memref_slice %arg3[%squeeze3A_234, %dma_wait3A_581] : memref<100000x32xf32, #tpu.memory_space<hbm>> -> memref<1x32xf32, #tpu.memory_space<hbm>>
    %dma_wait3A_583 = arith.constant 19 : i32
    %dma_wait3A_584 = arith.constant 0 : i32
    %dma_wait3A_585 = tpu.memref_slice %arg6[%dma_wait3A_583, %dma_wait3A_584] : memref<32x32xf32, #tpu.memory_space<vmem>> -> memref<1x32xf32, #tpu.memory_space<vmem>>
    %dma_wait3A_586 = arith.constant 0 : i32
    %dma_wait3A_587 = tpu.memref_slice %arg3[%squeeze3A_234, %dma_wait3A_586] : memref<100000x32xf32, #tpu.memory_space<hbm>> -> memref<1x32xf32, #tpu.memory_space<hbm>>
    tpu.wait_dma2 semaphore(%arg7 : memref<!tpu.dma_semaphore, #tpu.memory_space<semaphore_mem>>) src(%dma_wait3A_587 : memref<1x32xf32, #tpu.memory_space<hbm>>) dst(%dma_wait3A_585 : memref<1x32xf32, #tpu.memory_space<vmem>>)
    %dma_wait3A_588 = arith.constant 20 : i32
    %dma_wait3A_589 = arith.constant 0 : i32
    %dma_wait3A_590 = tpu.memref_slice %arg6[%dma_wait3A_588, %dma_wait3A_589] : memref<32x32xf32, #tpu.memory_space<vmem>> -> memref<1x32xf32, #tpu.memory_space<vmem>>
    %dma_wait3A_591 = arith.constant 0 : i32
    %dma_wait3A_592 = tpu.memref_slice %arg3[%squeeze3A_246, %dma_wait3A_591] : memref<100000x32xf32, #tpu.memory_space<hbm>> -> memref<1x32xf32, #tpu.memory_space<hbm>>
    %dma_wait3A_593 = arith.constant 20 : i32
    %dma_wait3A_594 = arith.constant 0 : i32
    %dma_wait3A_595 = tpu.memref_slice %arg6[%dma_wait3A_593, %dma_wait3A_594] : memref<32x32xf32, #tpu.memory_space<vmem>> -> memref<1x32xf32, #tpu.memory_space<vmem>>
    %dma_wait3A_596 = arith.constant 0 : i32
    %dma_wait3A_597 = tpu.memref_slice %arg3[%squeeze3A_246, %dma_wait3A_596] : memref<100000x32xf32, #tpu.memory_space<hbm>> -> memref<1x32xf32, #tpu.memory_space<hbm>>
    tpu.wait_dma2 semaphore(%arg7 : memref<!tpu.dma_semaphore, #tpu.memory_space<semaphore_mem>>) src(%dma_wait3A_597 : memref<1x32xf32, #tpu.memory_space<hbm>>) dst(%dma_wait3A_595 : memref<1x32xf32, #tpu.memory_space<vmem>>)
    %dma_wait3A_598 = arith.constant 21 : i32
    %dma_wait3A_599 = arith.constant 0 : i32
    %dma_wait3A_600 = tpu.memref_slice %arg6[%dma_wait3A_598, %dma_wait3A_599] : memref<32x32xf32, #tpu.memory_space<vmem>> -> memref<1x32xf32, #tpu.memory_space<vmem>>
    %dma_wait3A_601 = arith.constant 0 : i32
    %dma_wait3A_602 = tpu.memref_slice %arg3[%squeeze3A_258, %dma_wait3A_601] : memref<100000x32xf32, #tpu.memory_space<hbm>> -> memref<1x32xf32, #tpu.memory_space<hbm>>
    %dma_wait3A_603 = arith.constant 21 : i32
    %dma_wait3A_604 = arith.constant 0 : i32
    %dma_wait3A_605 = tpu.memref_slice %arg6[%dma_wait3A_603, %dma_wait3A_604] : memref<32x32xf32, #tpu.memory_space<vmem>> -> memref<1x32xf32, #tpu.memory_space<vmem>>
    %dma_wait3A_606 = arith.constant 0 : i32
    %dma_wait3A_607 = tpu.memref_slice %arg3[%squeeze3A_258, %dma_wait3A_606] : memref<100000x32xf32, #tpu.memory_space<hbm>> -> memref<1x32xf32, #tpu.memory_space<hbm>>
    tpu.wait_dma2 semaphore(%arg7 : memref<!tpu.dma_semaphore, #tpu.memory_space<semaphore_mem>>) src(%dma_wait3A_607 : memref<1x32xf32, #tpu.memory_space<hbm>>) dst(%dma_wait3A_605 : memref<1x32xf32, #tpu.memory_space<vmem>>)
    %dma_wait3A_608 = arith.constant 22 : i32
    %dma_wait3A_609 = arith.constant 0 : i32
    %dma_wait3A_610 = tpu.memref_slice %arg6[%dma_wait3A_608, %dma_wait3A_609] : memref<32x32xf32, #tpu.memory_space<vmem>> -> memref<1x32xf32, #tpu.memory_space<vmem>>
    %dma_wait3A_611 = arith.constant 0 : i32
    %dma_wait3A_612 = tpu.memref_slice %arg3[%squeeze3A_270, %dma_wait3A_611] : memref<100000x32xf32, #tpu.memory_space<hbm>> -> memref<1x32xf32, #tpu.memory_space<hbm>>
    %dma_wait3A_613 = arith.constant 22 : i32
    %dma_wait3A_614 = arith.constant 0 : i32
    %dma_wait3A_615 = tpu.memref_slice %arg6[%dma_wait3A_613, %dma_wait3A_614] : memref<32x32xf32, #tpu.memory_space<vmem>> -> memref<1x32xf32, #tpu.memory_space<vmem>>
    %dma_wait3A_616 = arith.constant 0 : i32
    %dma_wait3A_617 = tpu.memref_slice %arg3[%squeeze3A_270, %dma_wait3A_616] : memref<100000x32xf32, #tpu.memory_space<hbm>> -> memref<1x32xf32, #tpu.memory_space<hbm>>
    tpu.wait_dma2 semaphore(%arg7 : memref<!tpu.dma_semaphore, #tpu.memory_space<semaphore_mem>>) src(%dma_wait3A_617 : memref<1x32xf32, #tpu.memory_space<hbm>>) dst(%dma_wait3A_615 : memref<1x32xf32, #tpu.memory_space<vmem>>)
    %dma_wait3A_618 = arith.constant 23 : i32
    %dma_wait3A_619 = arith.constant 0 : i32
    %dma_wait3A_620 = tpu.memref_slice %arg6[%dma_wait3A_618, %dma_wait3A_619] : memref<32x32xf32, #tpu.memory_space<vmem>> -> memref<1x32xf32, #tpu.memory_space<vmem>>
    %dma_wait3A_621 = arith.constant 0 : i32
    %dma_wait3A_622 = tpu.memref_slice %arg3[%squeeze3A_282, %dma_wait3A_621] : memref<100000x32xf32, #tpu.memory_space<hbm>> -> memref<1x32xf32, #tpu.memory_space<hbm>>
    %dma_wait3A_623 = arith.constant 23 : i32
    %dma_wait3A_624 = arith.constant 0 : i32
    %dma_wait3A_625 = tpu.memref_slice %arg6[%dma_wait3A_623, %dma_wait3A_624] : memref<32x32xf32, #tpu.memory_space<vmem>> -> memref<1x32xf32, #tpu.memory_space<vmem>>
    %dma_wait3A_626 = arith.constant 0 : i32
    %dma_wait3A_627 = tpu.memref_slice %arg3[%squeeze3A_282, %dma_wait3A_626] : memref<100000x32xf32, #tpu.memory_space<hbm>> -> memref<1x32xf32, #tpu.memory_space<hbm>>
    tpu.wait_dma2 semaphore(%arg7 : memref<!tpu.dma_semaphore, #tpu.memory_space<semaphore_mem>>) src(%dma_wait3A_627 : memref<1x32xf32, #tpu.memory_space<hbm>>) dst(%dma_wait3A_625 : memref<1x32xf32, #tpu.memory_space<vmem>>)
    %dma_wait3A_628 = arith.constant 24 : i32
    %dma_wait3A_629 = arith.constant 0 : i32
    %dma_wait3A_630 = tpu.memref_slice %arg6[%dma_wait3A_628, %dma_wait3A_629] : memref<32x32xf32, #tpu.memory_space<vmem>> -> memref<1x32xf32, #tpu.memory_space<vmem>>
    %dma_wait3A_631 = arith.constant 0 : i32
    %dma_wait3A_632 = tpu.memref_slice %arg3[%squeeze3A_294, %dma_wait3A_631] : memref<100000x32xf32, #tpu.memory_space<hbm>> -> memref<1x32xf32, #tpu.memory_space<hbm>>
    %dma_wait3A_633 = arith.constant 24 : i32
    %dma_wait3A_634 = arith.constant 0 : i32
    %dma_wait3A_635 = tpu.memref_slice %arg6[%dma_wait3A_633, %dma_wait3A_634] : memref<32x32xf32, #tpu.memory_space<vmem>> -> memref<1x32xf32, #tpu.memory_space<vmem>>
    %dma_wait3A_636 = arith.constant 0 : i32
    %dma_wait3A_637 = tpu.memref_slice %arg3[%squeeze3A_294, %dma_wait3A_636] : memref<100000x32xf32, #tpu.memory_space<hbm>> -> memref<1x32xf32, #tpu.memory_space<hbm>>
    tpu.wait_dma2 semaphore(%arg7 : memref<!tpu.dma_semaphore, #tpu.memory_space<semaphore_mem>>) src(%dma_wait3A_637 : memref<1x32xf32, #tpu.memory_space<hbm>>) dst(%dma_wait3A_635 : memref<1x32xf32, #tpu.memory_space<vmem>>)
    %dma_wait3A_638 = arith.constant 25 : i32
    %dma_wait3A_639 = arith.constant 0 : i32
    %dma_wait3A_640 = tpu.memref_slice %arg6[%dma_wait3A_638, %dma_wait3A_639] : memref<32x32xf32, #tpu.memory_space<vmem>> -> memref<1x32xf32, #tpu.memory_space<vmem>>
    %dma_wait3A_641 = arith.constant 0 : i32
    %dma_wait3A_642 = tpu.memref_slice %arg3[%squeeze3A_306, %dma_wait3A_641] : memref<100000x32xf32, #tpu.memory_space<hbm>> -> memref<1x32xf32, #tpu.memory_space<hbm>>
    %dma_wait3A_643 = arith.constant 25 : i32
    %dma_wait3A_644 = arith.constant 0 : i32
    %dma_wait3A_645 = tpu.memref_slice %arg6[%dma_wait3A_643, %dma_wait3A_644] : memref<32x32xf32, #tpu.memory_space<vmem>> -> memref<1x32xf32, #tpu.memory_space<vmem>>
    %dma_wait3A_646 = arith.constant 0 : i32
    %dma_wait3A_647 = tpu.memref_slice %arg3[%squeeze3A_306, %dma_wait3A_646] : memref<100000x32xf32, #tpu.memory_space<hbm>> -> memref<1x32xf32, #tpu.memory_space<hbm>>
    tpu.wait_dma2 semaphore(%arg7 : memref<!tpu.dma_semaphore, #tpu.memory_space<semaphore_mem>>) src(%dma_wait3A_647 : memref<1x32xf32, #tpu.memory_space<hbm>>) dst(%dma_wait3A_645 : memref<1x32xf32, #tpu.memory_space<vmem>>)
    %dma_wait3A_648 = arith.constant 26 : i32
    %dma_wait3A_649 = arith.constant 0 : i32
    %dma_wait3A_650 = tpu.memref_slice %arg6[%dma_wait3A_648, %dma_wait3A_649] : memref<32x32xf32, #tpu.memory_space<vmem>> -> memref<1x32xf32, #tpu.memory_space<vmem>>
    %dma_wait3A_651 = arith.constant 0 : i32
    %dma_wait3A_652 = tpu.memref_slice %arg3[%squeeze3A_318, %dma_wait3A_651] : memref<100000x32xf32, #tpu.memory_space<hbm>> -> memref<1x32xf32, #tpu.memory_space<hbm>>
    %dma_wait3A_653 = arith.constant 26 : i32
    %dma_wait3A_654 = arith.constant 0 : i32
    %dma_wait3A_655 = tpu.memref_slice %arg6[%dma_wait3A_653, %dma_wait3A_654] : memref<32x32xf32, #tpu.memory_space<vmem>> -> memref<1x32xf32, #tpu.memory_space<vmem>>
    %dma_wait3A_656 = arith.constant 0 : i32
    %dma_wait3A_657 = tpu.memref_slice %arg3[%squeeze3A_318, %dma_wait3A_656] : memref<100000x32xf32, #tpu.memory_space<hbm>> -> memref<1x32xf32, #tpu.memory_space<hbm>>
    tpu.wait_dma2 semaphore(%arg7 : memref<!tpu.dma_semaphore, #tpu.memory_space<semaphore_mem>>) src(%dma_wait3A_657 : memref<1x32xf32, #tpu.memory_space<hbm>>) dst(%dma_wait3A_655 : memref<1x32xf32, #tpu.memory_space<vmem>>)
    %dma_wait3A_658 = arith.constant 27 : i32
    %dma_wait3A_659 = arith.constant 0 : i32
    %dma_wait3A_660 = tpu.memref_slice %arg6[%dma_wait3A_658, %dma_wait3A_659] : memref<32x32xf32, #tpu.memory_space<vmem>> -> memref<1x32xf32, #tpu.memory_space<vmem>>
    %dma_wait3A_661 = arith.constant 0 : i32
    %dma_wait3A_662 = tpu.memref_slice %arg3[%squeeze3A_330, %dma_wait3A_661] : memref<100000x32xf32, #tpu.memory_space<hbm>> -> memref<1x32xf32, #tpu.memory_space<hbm>>
    %dma_wait3A_663 = arith.constant 27 : i32
    %dma_wait3A_664 = arith.constant 0 : i32
    %dma_wait3A_665 = tpu.memref_slice %arg6[%dma_wait3A_663, %dma_wait3A_664] : memref<32x32xf32, #tpu.memory_space<vmem>> -> memref<1x32xf32, #tpu.memory_space<vmem>>
    %dma_wait3A_666 = arith.constant 0 : i32
    %dma_wait3A_667 = tpu.memref_slice %arg3[%squeeze3A_330, %dma_wait3A_666] : memref<100000x32xf32, #tpu.memory_space<hbm>> -> memref<1x32xf32, #tpu.memory_space<hbm>>
    tpu.wait_dma2 semaphore(%arg7 : memref<!tpu.dma_semaphore, #tpu.memory_space<semaphore_mem>>) src(%dma_wait3A_667 : memref<1x32xf32, #tpu.memory_space<hbm>>) dst(%dma_wait3A_665 : memref<1x32xf32, #tpu.memory_space<vmem>>)
    %dma_wait3A_668 = arith.constant 28 : i32
    %dma_wait3A_669 = arith.constant 0 : i32
    %dma_wait3A_670 = tpu.memref_slice %arg6[%dma_wait3A_668, %dma_wait3A_669] : memref<32x32xf32, #tpu.memory_space<vmem>> -> memref<1x32xf32, #tpu.memory_space<vmem>>
    %dma_wait3A_671 = arith.constant 0 : i32
    %dma_wait3A_672 = tpu.memref_slice %arg3[%squeeze3A_342, %dma_wait3A_671] : memref<100000x32xf32, #tpu.memory_space<hbm>> -> memref<1x32xf32, #tpu.memory_space<hbm>>
    %dma_wait3A_673 = arith.constant 28 : i32
    %dma_wait3A_674 = arith.constant 0 : i32
    %dma_wait3A_675 = tpu.memref_slice %arg6[%dma_wait3A_673, %dma_wait3A_674] : memref<32x32xf32, #tpu.memory_space<vmem>> -> memref<1x32xf32, #tpu.memory_space<vmem>>
    %dma_wait3A_676 = arith.constant 0 : i32
    %dma_wait3A_677 = tpu.memref_slice %arg3[%squeeze3A_342, %dma_wait3A_676] : memref<100000x32xf32, #tpu.memory_space<hbm>> -> memref<1x32xf32, #tpu.memory_space<hbm>>
    tpu.wait_dma2 semaphore(%arg7 : memref<!tpu.dma_semaphore, #tpu.memory_space<semaphore_mem>>) src(%dma_wait3A_677 : memref<1x32xf32, #tpu.memory_space<hbm>>) dst(%dma_wait3A_675 : memref<1x32xf32, #tpu.memory_space<vmem>>)
    %dma_wait3A_678 = arith.constant 29 : i32
    %dma_wait3A_679 = arith.constant 0 : i32
    %dma_wait3A_680 = tpu.memref_slice %arg6[%dma_wait3A_678, %dma_wait3A_679] : memref<32x32xf32, #tpu.memory_space<vmem>> -> memref<1x32xf32, #tpu.memory_space<vmem>>
    %dma_wait3A_681 = arith.constant 0 : i32
    %dma_wait3A_682 = tpu.memref_slice %arg3[%squeeze3A_354, %dma_wait3A_681] : memref<100000x32xf32, #tpu.memory_space<hbm>> -> memref<1x32xf32, #tpu.memory_space<hbm>>
    %dma_wait3A_683 = arith.constant 29 : i32
    %dma_wait3A_684 = arith.constant 0 : i32
    %dma_wait3A_685 = tpu.memref_slice %arg6[%dma_wait3A_683, %dma_wait3A_684] : memref<32x32xf32, #tpu.memory_space<vmem>> -> memref<1x32xf32, #tpu.memory_space<vmem>>
    %dma_wait3A_686 = arith.constant 0 : i32
    %dma_wait3A_687 = tpu.memref_slice %arg3[%squeeze3A_354, %dma_wait3A_686] : memref<100000x32xf32, #tpu.memory_space<hbm>> -> memref<1x32xf32, #tpu.memory_space<hbm>>
    tpu.wait_dma2 semaphore(%arg7 : memref<!tpu.dma_semaphore, #tpu.memory_space<semaphore_mem>>) src(%dma_wait3A_687 : memref<1x32xf32, #tpu.memory_space<hbm>>) dst(%dma_wait3A_685 : memref<1x32xf32, #tpu.memory_space<vmem>>)
    %dma_wait3A_688 = arith.constant 30 : i32
    %dma_wait3A_689 = arith.constant 0 : i32
    %dma_wait3A_690 = tpu.memref_slice %arg6[%dma_wait3A_688, %dma_wait3A_689] : memref<32x32xf32, #tpu.memory_space<vmem>> -> memref<1x32xf32, #tpu.memory_space<vmem>>
    %dma_wait3A_691 = arith.constant 0 : i32
    %dma_wait3A_692 = tpu.memref_slice %arg3[%squeeze3A_366, %dma_wait3A_691] : memref<100000x32xf32, #tpu.memory_space<hbm>> -> memref<1x32xf32, #tpu.memory_space<hbm>>
    %dma_wait3A_693 = arith.constant 30 : i32
    %dma_wait3A_694 = arith.constant 0 : i32
    %dma_wait3A_695 = tpu.memref_slice %arg6[%dma_wait3A_693, %dma_wait3A_694] : memref<32x32xf32, #tpu.memory_space<vmem>> -> memref<1x32xf32, #tpu.memory_space<vmem>>
    %dma_wait3A_696 = arith.constant 0 : i32
    %dma_wait3A_697 = tpu.memref_slice %arg3[%squeeze3A_366, %dma_wait3A_696] : memref<100000x32xf32, #tpu.memory_space<hbm>> -> memref<1x32xf32, #tpu.memory_space<hbm>>
    tpu.wait_dma2 semaphore(%arg7 : memref<!tpu.dma_semaphore, #tpu.memory_space<semaphore_mem>>) src(%dma_wait3A_697 : memref<1x32xf32, #tpu.memory_space<hbm>>) dst(%dma_wait3A_695 : memref<1x32xf32, #tpu.memory_space<vmem>>)
    %dma_wait3A_698 = arith.constant 31 : i32
    %dma_wait3A_699 = arith.constant 0 : i32
    %dma_wait3A_700 = tpu.memref_slice %arg6[%dma_wait3A_698, %dma_wait3A_699] : memref<32x32xf32, #tpu.memory_space<vmem>> -> memref<1x32xf32, #tpu.memory_space<vmem>>
    %dma_wait3A_701 = arith.constant 0 : i32
    %dma_wait3A_702 = tpu.memref_slice %arg3[%squeeze3A_378, %dma_wait3A_701] : memref<100000x32xf32, #tpu.memory_space<hbm>> -> memref<1x32xf32, #tpu.memory_space<hbm>>
    %dma_wait3A_703 = arith.constant 31 : i32
    %dma_wait3A_704 = arith.constant 0 : i32
    %dma_wait3A_705 = tpu.memref_slice %arg6[%dma_wait3A_703, %dma_wait3A_704] : memref<32x32xf32, #tpu.memory_space<vmem>> -> memref<1x32xf32, #tpu.memory_space<vmem>>
    %dma_wait3A_706 = arith.constant 0 : i32
    %dma_wait3A_707 = tpu.memref_slice %arg3[%squeeze3A_378, %dma_wait3A_706] : memref<100000x32xf32, #tpu.memory_space<hbm>> -> memref<1x32xf32, #tpu.memory_space<hbm>>
    tpu.wait_dma2 semaphore(%arg7 : memref<!tpu.dma_semaphore, #tpu.memory_space<semaphore_mem>>) src(%dma_wait3A_707 : memref<1x32xf32, #tpu.memory_space<hbm>>) dst(%dma_wait3A_705 : memref<1x32xf32, #tpu.memory_space<vmem>>)
    "tpu.region"() ({
      %run_scoped3A = tpu.sem_alloc : memref<!tpu.dma_semaphore, #tpu.memory_space<semaphore_mem>>
      %dma_start3A_708 = arith.constant 0 : i32
      %dma_start3A_709 = tpu.memref_slice %arg4[%mul3A_2, %dma_start3A_708] : memref<1024x32xf32, #tpu.memory_space<hbm>> -> memref<32x32xf32, #tpu.memory_space<hbm>>
      %dma_start3A_710 = arith.constant 0 : i32
      %dma_start3A_711 = tpu.memref_slice %arg4[%mul3A_2, %dma_start3A_710] : memref<1024x32xf32, #tpu.memory_space<hbm>> -> memref<32x32xf32, #tpu.memory_space<hbm>>
      tpu.enqueue_dma source(%arg6 : memref<32x32xf32, #tpu.memory_space<vmem>>) target(%dma_start3A_711 : memref<32x32xf32, #tpu.memory_space<hbm>>) target_semaphore(%run_scoped3A : memref<!tpu.dma_semaphore, #tpu.memory_space<semaphore_mem>>)
      %dma_wait3A_712 = arith.constant 0 : i32
      %dma_wait3A_713 = tpu.memref_slice %arg4[%mul3A_2, %dma_wait3A_712] : memref<1024x32xf32, #tpu.memory_space<hbm>> -> memref<32x32xf32, #tpu.memory_space<hbm>>
      %dma_wait3A_714 = arith.constant 0 : i32
      %dma_wait3A_715 = tpu.memref_slice %arg4[%mul3A_2, %dma_wait3A_714] : memref<1024x32xf32, #tpu.memory_space<hbm>> -> memref<32x32xf32, #tpu.memory_space<hbm>>
      tpu.wait_dma2 semaphore(%run_scoped3A : memref<!tpu.dma_semaphore, #tpu.memory_space<semaphore_mem>>) src(%arg6 : memref<32x32xf32, #tpu.memory_space<vmem>>) dst(%dma_wait3A_715 : memref<32x32xf32, #tpu.memory_space<hbm>>)
      tpu.yield
    }) : () -> ()
    return
  }
}

module attributes {stable_mosaic.version = 14 : i64} {
  func.func @_down_kernel(%arg0: i32, %arg1: memref<32x1024xf32, #tpu.memory_space<vmem>>, %arg2: memref<10000x32xf32, #tpu.memory_space<vmem>>, %arg3: memref<1x1024xf32, #tpu.memory_space<vmem>>, %arg4: memref<32x1024xf32, #tpu.memory_space<vmem>>, %arg5: memref<1x1024xf32, #tpu.memory_space<vmem>>) attributes {dimension_semantics = [#tpu.dimension_semantics<arbitrary>], iteration_bounds = array<i64: 10>, scalar_prefetch = 0 : i64, scratch_operands = 2 : i64, tpu.core_type = #tpu.core_type<tc>, window_params = [{pipeline_mode = #tpu.pipeline_mode<synchronous>, transform_indices = @transform_0, window_bounds = array<i64: 32, 1024>}, {transform_indices = @transform_1, window_bounds = array<i64: 10000, 32>}, {pipeline_mode = #tpu.pipeline_mode<synchronous>, transform_indices = @transform_2, window_bounds = array<i64: 1, 1024>}]} {
    %eq3A = arith.constant 0 : i32
    %eq3A_0 = arith.cmpi eq, %arg0, %eq3A : i32
    %convert_element_type3A = arith.extui %eq3A_0 : i1 to i32
    %cond3A = arith.constant 0 : i32
    %cond3A_1 = arith.cmpi ne, %convert_element_type3A, %cond3A : i32
    scf.if %cond3A_1 {
      %get3A_21 = arith.constant 0 : index
      %get3A_22 = arith.constant 0 : index
      %get3A_23 = vector.load %arg1[%get3A_21, %get3A_22] : memref<32x1024xf32, #tpu.memory_space<vmem>>, vector<32x1024xf32>
      %mul3A_24 = arith.mulf %get3A_23, %get3A_23 : vector<32x1024xf32>
      %reduce_sum3A_25 = arith.constant dense<0.000000e+00> : vector<1024xf32>
      %reduce_sum3A_26 = vector.multi_reduction <add>, %mul3A_24, %reduce_sum3A_25 [0] : vector<32x1024xf32> to vector<1024xf32>
      %broadcast_in_dim3A_27 = vector.shape_cast %reduce_sum3A_26 : vector<1024xf32> to vector<1x1024xf32>
      %sqrt3A = math.sqrt %broadcast_in_dim3A_27 : vector<1x1024xf32>
      %max3A = arith.constant 9.99999996E-13 : f32
      %max3A_28 = vector.broadcast %max3A : f32 to vector<1x1024xf32>
      %max3A_29 = arith.maximumf %sqrt3A, %max3A_28 : vector<1x1024xf32>
      %div3A = vector.broadcast %max3A_29 : vector<1x1024xf32> to vector<32x1024xf32>
      %div3A_30 = arith.divf %get3A_23, %div3A : vector<32x1024xf32>
      %swap3A_31 = arith.constant 0 : index
      %swap3A_32 = arith.constant 0 : index
      %swap3A_33 = vector.load %arg4[%swap3A_31, %swap3A_32] : memref<32x1024xf32, #tpu.memory_space<vmem>>, vector<32x1024xf32>
      tpu.vector_store %arg4[%swap3A_31, %swap3A_32], %div3A_30 {strides = array<i32>} : memref<32x1024xf32, #tpu.memory_space<vmem>>, vector<32x1024xf32>,
      %broadcast_in_dim3A_34 = arith.constant 0.000000e+00 : f32
      %broadcast_in_dim3A_35 = vector.broadcast %broadcast_in_dim3A_34 : f32 to vector<1x1024xf32>
      %swap3A_36 = arith.constant 0 : index
      %swap3A_37 = arith.constant 0 : index
      %swap3A_38 = vector.load %arg5[%swap3A_36, %swap3A_37] : memref<1x1024xf32, #tpu.memory_space<vmem>>, vector<1x1024xf32>
      tpu.vector_store %arg5[%swap3A_36, %swap3A_37], %broadcast_in_dim3A_35 {strides = array<i32>} : memref<1x1024xf32, #tpu.memory_space<vmem>>, vector<1x1024xf32>,
    } else {
    }
    %get3A = arith.constant 0 : index
    %get3A_2 = arith.constant 0 : index
    %get3A_3 = vector.load %arg4[%get3A, %get3A_2] : memref<32x1024xf32, #tpu.memory_space<vmem>>, vector<32x1024xf32>
    %get3A_4 = arith.constant 0 : index
    %get3A_5 = arith.constant 0 : index
    %get3A_6 = vector.load %arg2[%get3A_4, %get3A_5] : memref<10000x32xf32, #tpu.memory_space<vmem>>, vector<10000x32xf32>
    %dot_general3A = arith.constant dense<0.000000e+00> : vector<10000x1024xf32>
    %dot_general3A_7 = tpu.matmul %get3A_6, %get3A_3, %dot_general3A {dimension_numbers = #tpu.dot_dimension_numbers<[1], [0], [0], [1], [0, 0, 1, 1], [], []>, transpose_lhs_hint = false} : vector<10000x32xf32>, vector<32x1024xf32>, vector<10000x1024xf32> -> vector<10000x1024xf32>
    %mul3A = arith.constant 14.4269505 : f32
    %mul3A_8 = vector.broadcast %mul3A : f32 to vector<10000x1024xf32>
    %mul3A_9 = arith.mulf %dot_general3A_7, %mul3A_8 : vector<10000x1024xf32>
    %exp23A = math.exp2 %mul3A_9 : vector<10000x1024xf32>
    %get3A_10 = arith.constant 0 : index
    %get3A_11 = arith.constant 0 : index
    %get3A_12 = vector.load %arg5[%get3A_10, %get3A_11] : memref<1x1024xf32, #tpu.memory_space<vmem>>, vector<1x1024xf32>
    %reduce_sum3A = arith.constant dense<0.000000e+00> : vector<1024xf32>
    %reduce_sum3A_13 = vector.multi_reduction <add>, %exp23A, %reduce_sum3A [0] : vector<10000x1024xf32> to vector<1024xf32>
    %broadcast_in_dim3A = vector.shape_cast %reduce_sum3A_13 : vector<1024xf32> to vector<1x1024xf32>
    %add3A = arith.addf %get3A_12, %broadcast_in_dim3A : vector<1x1024xf32>
    %swap3A = arith.constant 0 : index
    %swap3A_14 = arith.constant 0 : index
    %swap3A_15 = vector.load %arg5[%swap3A, %swap3A_14] : memref<1x1024xf32, #tpu.memory_space<vmem>>, vector<1x1024xf32>
    tpu.vector_store %arg5[%swap3A, %swap3A_14], %add3A {strides = array<i32>} : memref<1x1024xf32, #tpu.memory_space<vmem>>, vector<1x1024xf32>,
    %eq3A_16 = arith.constant 9 : i32
    %eq3A_17 = arith.cmpi eq, %arg0, %eq3A_16 : i32
    %convert_element_type3A_18 = arith.extui %eq3A_17 : i1 to i32
    %cond3A_19 = arith.constant 0 : i32
    %cond3A_20 = arith.cmpi ne, %convert_element_type3A_18, %cond3A_19 : i32
    scf.if %cond3A_20 {
      %get3A_21 = arith.constant 0 : index
      %get3A_22 = arith.constant 0 : index
      %get3A_23 = vector.load %arg5[%get3A_21, %get3A_22] : memref<1x1024xf32, #tpu.memory_space<vmem>>, vector<1x1024xf32>
      %swap3A_24 = arith.constant 0 : index
      %swap3A_25 = arith.constant 0 : index
      %swap3A_26 = vector.load %arg3[%swap3A_24, %swap3A_25] : memref<1x1024xf32, #tpu.memory_space<vmem>>, vector<1x1024xf32>
      tpu.vector_store %arg3[%swap3A_24, %swap3A_25], %get3A_23 {strides = array<i32>} : memref<1x1024xf32, #tpu.memory_space<vmem>>, vector<1x1024xf32>,
    } else {
    }
    return
  }
  func.func @transform_0(%arg0: i32) -> (i32, i32) {
    %c0_i32 = arith.constant 0 : i32
    %c0_i32_0 = arith.constant 0 : i32
    %c0_i32_1 = arith.constant 0 : i32
    return %c0_i32, %c0_i32_0 : i32, i32
  }
  func.func @transform_1(%arg0: i32) -> (i32, i32) {
    %c0_i32 = arith.constant 0 : i32
    %c0_i32_0 = arith.constant 0 : i32
    return %arg0, %c0_i32 : i32, i32
  }
  func.func @transform_2(%arg0: i32) -> (i32, i32) {
    %c0_i32 = arith.constant 0 : i32
    %c0_i32_0 = arith.constant 0 : i32
    %c0_i32_1 = arith.constant 0 : i32
    return %c0_i32, %c0_i32_0 : i32, i32
  }
}

module attributes {stable_mosaic.version = 14 : i64} {
  func.func @_finish_kernel(%arg0: memref<32x1024xf32, #tpu.memory_space<vmem>>, %arg1: memref<1024x32xf32, #tpu.memory_space<vmem>>, %arg2: memref<1x1024xf32, #tpu.memory_space<vmem>>, %arg3: memref<1x1024xf32, #tpu.memory_space<vmem>>) attributes {dimension_semantics = [], scalar_prefetch = 0 : i64, scratch_operands = 0 : i64, tpu.core_type = #tpu.core_type<tc>} {
    %get3A = arith.constant 0 : index
    %get3A_0 = arith.constant 0 : index
    %get3A_1 = vector.load %arg0[%get3A, %get3A_0] : memref<32x1024xf32, #tpu.memory_space<vmem>>, vector<32x1024xf32>
    %mul3A = arith.mulf %get3A_1, %get3A_1 : vector<32x1024xf32>
    %reduce_sum3A = arith.constant dense<0.000000e+00> : vector<1024xf32>
    %reduce_sum3A_2 = vector.multi_reduction <add>, %mul3A, %reduce_sum3A [0] : vector<32x1024xf32> to vector<1024xf32>
    %broadcast_in_dim3A = vector.shape_cast %reduce_sum3A_2 : vector<1024xf32> to vector<1x1024xf32>
    %sqrt3A = math.sqrt %broadcast_in_dim3A : vector<1x1024xf32>
    %max3A = arith.constant 9.99999996E-13 : f32
    %max3A_3 = vector.broadcast %max3A : f32 to vector<1x1024xf32>
    %max3A_4 = arith.maximumf %sqrt3A, %max3A_3 : vector<1x1024xf32>
    %div3A = vector.broadcast %max3A_4 : vector<1x1024xf32> to vector<32x1024xf32>
    %div3A_5 = arith.divf %get3A_1, %div3A : vector<32x1024xf32>
    %get3A_6 = arith.constant 0 : index
    %get3A_7 = arith.constant 0 : index
    %get3A_8 = vector.load %arg1[%get3A_6, %get3A_7] : memref<1024x32xf32, #tpu.memory_space<vmem>>, vector<1024x32xf32>
    %transpose3A = tpu.transpose %get3A_8, [1, 0] : vector<1024x32xf32> -> vector<32x1024xf32>
    %convert_element_type3A = arith.truncf %div3A_5 : vector<32x1024xf32> to vector<32x1024xbf16>
    %convert_element_type3A_9 = arith.extf %convert_element_type3A : vector<32x1024xbf16> to vector<32x1024xf32>
    %convert_element_type3A_10 = arith.truncf %transpose3A : vector<32x1024xf32> to vector<32x1024xbf16>
    %convert_element_type3A_11 = arith.extf %convert_element_type3A_10 : vector<32x1024xbf16> to vector<32x1024xf32>
    %mul3A_12 = arith.mulf %convert_element_type3A_9, %convert_element_type3A_11 : vector<32x1024xf32>
    %reduce_sum3A_13 = arith.constant dense<0.000000e+00> : vector<1024xf32>
    %reduce_sum3A_14 = vector.multi_reduction <add>, %mul3A_12, %reduce_sum3A_13 [0] : vector<32x1024xf32> to vector<1024xf32>
    %broadcast_in_dim3A_15 = vector.shape_cast %reduce_sum3A_14 : vector<1024xf32> to vector<1x1024xf32>
    %mul3A_16 = arith.constant 14.4269505 : f32
    %mul3A_17 = vector.broadcast %mul3A_16 : f32 to vector<1x1024xf32>
    %mul3A_18 = arith.mulf %broadcast_in_dim3A_15, %mul3A_17 : vector<1x1024xf32>
    %exp23A = math.exp2 %mul3A_18 : vector<1x1024xf32>
    %get3A_19 = arith.constant 0 : index
    %get3A_20 = arith.constant 0 : index
    %get3A_21 = vector.load %arg2[%get3A_19, %get3A_20] : memref<1x1024xf32, #tpu.memory_space<vmem>>, vector<1x1024xf32>
    %div3A_22 = arith.divf %exp23A, %get3A_21 : vector<1x1024xf32>
    %swap3A = arith.constant 0 : index
    %swap3A_23 = arith.constant 0 : index
    %swap3A_24 = vector.load %arg3[%swap3A, %swap3A_23] : memref<1x1024xf32, #tpu.memory_space<vmem>>, vector<1x1024xf32>
    tpu.vector_store %arg3[%swap3A, %swap3A_23], %div3A_22 {strides = array<i32>} : memref<1x1024xf32, #tpu.memory_space<vmem>>, vector<1x1024xf32>,
    return
  }
}

</mosaic_0001>

<sc_bundles>
// kernel: kernel.5.cloned.1.call-start
scs
__scs_entry_jumppad:
0x0: {  	(pc) =	sbr.rel $0x88, $3  }
0x1: {  	(tag) =	ssettag $0x0;
	lr =	simm.s32 $0x1  }
0x2: {  	[smem:$0x3F9E] =	sst lr;
	_ =	strace $0xD0000000  }
0x3: {  	_ = 	snop  }
0x4: {  	_ = 	snop  }
0x5: {  	_ = 	snop  }
0x6: {  	_ = 	snop  }
0x7: {  	_ = 	snop  }
__scs_overlays_trampoline_lowered:
0x8: {  	[smem:$0x3FAD] =	sst s0  }
0x9: {  	[smem:$0x3FAE] =	sst s1  }
0xa: {  	[smem:$0x3FAF] =	sst s2  }
0xb: {  	[smem:$0x3FB0] =	sst s3  }
0xc: {  	[smem:$0x3FB1] =	sst s4  }
0xd: {  	[smem:$0x3FB2] =	sst s5  }
0xe: {  	[smem:$0x3FB3] =	sst s6  }
0xf: {  	[smem:$0x3FB4] =	sst s7  }
0x10: {  	[smem:$0x3FB5] =	sst s8  }
0x11: {  	[smem:$0x3FB6] =	sst s9;
	s0 =	simm.s32 @!p0 $0x0  }
0x12: {  	s1 =	sld [smem:$0x3F9C];
	s0 =	simm.s32 @p0 $0x1  }
0x13: {  	[smem:$0x3FB7] =	sst s0;
	s0 =	simm.s32 @!p1 $0x0  }
0x14: {  	s2 =	sld [smem:$0x3F9B];
	s0 =	simm.s32 @p1 $0x1  }
0x15: {  	[smem:$0x3FB8] =	sst s0;
	s0 =	simm.s32 @!p2 $0x0  }
0x16: {  	s3 =	sld [smem:$0x3FDB];
	s0 =	simm.s32 @p2 $0x1  }
0x17: {  	s4 =	simm.s32 $0x1BF5;
	[smem:$0x3FBA] =	sst s0  }
0x18: {  	s0 =	sld [smem:$0x3F9D];
	_ =	swait.ge [sflag:s4], $0x0  }
0x19: {  	s7 =	sld [smem:$0x3F9E]  }
0x1a: {  	s8 =	sadd.s32 $0xFFFFE003, lr  }
0x1b: {  	s9 =	sadd.s32 $0xFFFFFEF7, lr;
	s5 =	simm.s32 $0xFFFFFFFF;
	p2 =	slt.u32 s8, $0xFFFFF086  }
0x1c: {  	p1 =	slt.u32 s9, $0xF7A;
	s5 =	simm.s32 @!p2 $0x0  }
0x1d: {  	s5 =	simm.s32 @p1 $0x1;
	p0 =	seq.s32 s7, s2  }
0x1e: {  	s7 =	smul.u32 @!p0 $0xF7A, s2;
	p2 =	seq.s32 @!p0 s5, $0x0  }
0x1f: {  	s9 =	smul.u32 $0xF7A, s1;
	s8 =	simm.s32 @!p0 $0x1BF5;
	p2 =	por !p2, p0  }
0x20: {  	[sflag:s8] =	ssyncset.s32 @!p0 $0xFFFFF086;
	s6 =	sadd.s32 @!p0 s3, s7;
	s7 =	simm.s32 @!p0 $0x108  }
0x21: {  	s3 =	sadd.s32 s3, s9;
	s6 =	sadd.s32 @!p0 $0x88, s6;
	s7 =	simm.s32 @p2 $0x1082  }
0x22: {  	[simem:s7], [sflag:s8] =	dma.local @!p0 [hbm:s6], $0xF7A  }
0x23: {  	s9 =	sor.u32 $0xD0000000, s2;
	s6 =	simm.s32 $0x108;
	_ =	swait.ge @!p0 [sflag:s8], $0x0  }
0x24: {  	s3 =	sadd.s32 $0x88, s3;
	s6 =	simm.s32 @!p1 $0x1082;
	[sflag:s4] =	ssyncset.s32 $0xFFFFF086  }
0x25: {  	[simem:s6], [sflag:s4] =	dma.local [hbm:s3], $0xF7A  }
0x26: {  	[smem:$0x3F9E] =	sst s1;
	(tag) =	ssettag s2;
	_ =	strace s9  }
0x27: {  	s1 =	sld [smem:$0x3FAE]  }
0x28: {  	s2 =	sld [smem:$0x3FAF]  }
0x29: {  	s4 =	sld [smem:$0x3FB1]  }
0x2a: {  	p0 =	seq.s32 s5, $0x0;
	s5 =	sld [smem:$0x3FB2]  }
0x2b: {  	s6 =	sld [smem:$0x3FB3]  }
0x2c: {  	s7 =	sld [smem:$0x3FB4]  }
0x2d: {  	s3 =	simm.s32 $0x108;
	s8 =	sld [smem:$0x3FB5]  }
0x2e: {  	s3 =	simm.s32 @!p0 $0x1082;
	s9 =	sld [smem:$0x3FB6]  }
0x2f: {  	lr =	sadd.s32 s0, s3;
	s0 =	sld [smem:$0x3FAD]  }
0x30: {  	s3 =	sld [smem:$0x3FB0]  }
0x31: {  	[smem:$0x3FB9] =	sst s10  }
0x32: {  	s10 =	sld [smem:$0x3FB7];
	_ =	sdelay $0x3  }
0x33: {  	p0 =	seq.s32 s10, $0x1;
	s10 =	sld [smem:$0x3FB9];
	_ =	sdelay $0x3  }
0x34: {  	[smem:$0x3FB9] =	sst s10  }
0x35: {  	s10 =	sld [smem:$0x3FB8];
	_ =	sdelay $0x3  }
0x36: {  	p1 =	seq.s32 s10, $0x1;
	s10 =	sld [smem:$0x3FB9];
	_ =	sdelay $0x3  }
0x37: {  	[smem:$0x3FB9] =	sst s10  }
0x38: {  	s10 =	sld [smem:$0x3FBA]  }
0x39: {  	_ = 	snop;
	(pc) =	sbr.ind lr, $3  }
0x3a: {  	_ = 	snop  }
0x3b: {  	_ = 	snop  }
0x3c: {  	p2 =	seq.s32 s10, $0x1;
	s10 =	sld [smem:$0x3FB9]  }
0x3d: {  	_ =	shalt  }
0x3e: {  	_ =	shalt  }
0x3f: {  	_ =	shalt  }
0x40: {  	_ =	shalt  }
0x41: {  	_ =	shalt  }
0x42: {  	_ =	shalt  }
0x43: {  	_ =	shalt  }
0x44: {  	_ =	shalt  }
0x45: {  	_ =	shalt  }
0x46: {  	_ =	shalt  }
0x47: {  	_ =	shalt  }
0x48: {  	_ =	shalt  }
0x49: {  	_ =	shalt  }
0x4a: {  	_ =	shalt  }
0x4b: {  	_ =	shalt  }
0x4c: {  	_ =	shalt  }
0x4d: {  	_ =	shalt  }
0x4e: {  	_ =	shalt  }
0x4f: {  	_ =	shalt  }
0x50: {  	_ =	shalt  }
0x51: {  	_ =	shalt  }
0x52: {  	_ =	shalt  }
0x53: {  	_ =	shalt  }
0x54: {  	_ =	shalt  }
0x55: {  	_ =	shalt  }
0x56: {  	_ =	shalt  }
0x57: {  	_ =	shalt  }
0x58: {  	_ =	shalt  }
0x59: {  	_ =	shalt  }
0x5a: {  	_ =	shalt  }
0x5b: {  	_ =	shalt  }
0x5c: {  	_ =	shalt  }
0x5d: {  	_ =	shalt  }
0x5e: {  	_ =	shalt  }
0x5f: {  	_ =	shalt  }
0x60: {  	_ =	shalt  }
0x61: {  	_ =	shalt  }
0x62: {  	_ =	shalt  }
0x63: {  	_ =	shalt  }
0x64: {  	_ =	shalt  }
0x65: {  	_ =	shalt  }
0x66: {  	_ =	shalt  }
0x67: {  	_ =	shalt  }
0x68: {  	_ =	shalt  }
0x69: {  	_ =	shalt  }
0x6a: {  	_ =	shalt  }
0x6b: {  	_ =	shalt  }
0x6c: {  	_ =	shalt  }
0x6d: {  	_ =	shalt  }
0x6e: {  	_ =	shalt  }
0x6f: {  	_ =	shalt  }
0x70: {  	_ =	shalt  }
0x71: {  	_ =	shalt  }
0x72: {  	_ =	shalt  }
0x73: {  	_ =	shalt  }
0x74: {  	_ =	shalt  }
0x75: {  	_ =	shalt  }
0x76: {  	_ =	shalt  }
0x77: {  	_ =	shalt  }
0x78: {  	_ =	shalt  }
0x79: {  	_ =	shalt  }
0x7a: {  	_ =	shalt  }
0x7b: {  	_ =	shalt  }
0x7c: {  	_ =	shalt  }
0x7d: {  	_ =	shalt  }
0x7e: {  	_ =	shalt  }
0x7f: {  	_ =	shalt  }
0x80: {  	_ =	shalt  }
0x81: {  	_ =	shalt  }
0x82: {  	_ =	shalt  }
0x83: {  	_ =	shalt  }
0x84: {  	_ =	shalt  }
0x85: {  	_ =	shalt  }
0x86: {  	_ =	shalt  }
0x87: {  	_ =	shalt  }
.Lfunc_end0:
.L_simem_size_0:
called_computation_lowered:
.L_overlay_start_0:
0x88: {  	s2 =	sld [smem:$0x3FD9]  }
0x89: {  	s3 =	sld [smem:$0x3FFE];
	_ =	sdelay $0x1  }
0x8a: {  	s1 =	srdreg.scid  }
0x8b: {  	s0 =	sand.u32 $0x1, s1  }
0x8c: {  	s17 =	sshll.u32 s0, $0xA;
	s2 =	sadd.s32 s3, s2  }
0x8d: {  	s2 =	sadd.s32 s2, s17  }
0x8e: {  	[smem:$0x3FC5] =	sst s2  }
0x8f: {  	_ = 	snop  }
0x90: {  	s2 =	sld [smem:$0x3FC8];
	(tm) =	ssettm $0x1  }
0x91: {  	s18 =	sld [smem:$0x3FFB];
	_ =	sdelay $0x3  }
0x92: {  	_ =	strace s18  }
0x93: {  	s3 =	sld [smem:$0x3FFC];
	_ =	sdelay $0x3  }
0x94: {  	_ =	strace s3  }
0x95: {  	s3 =	sld [smem:$0x3FFD];
	_ =	sdelay $0x3  }
0x96: {  	_ =	strace s3  }
0x97: {  	_ =	strace $0x8FFFFFFF  }
0x98: {  	s19 =	sld [smem:$0x3FDB];
	_ =	sdelay $0x1  }
0x99: {  	s4 =	simm.s32 $_scs_section_size  }
0x9a: {  	s5 =	simm.s32 $_size__tile_overlayer_lowered;
	s6 =	simm.s32 $_tile_overlayer_lowered  }
0x9b: {  	s22 =	simm.s32 $0x1BFF;
	s21 =	sshll.u32 s6, $0x1;
	s3 =	sadd.s32 s4, s19  }
0x9c: {  	s7 =	simm.s32 $0x0;
	s20 =	sshll.u32 s5, $0x1;
	s5 =	sadd.s32 s21, s3  }
0x9d: {  	[timem:s7], [sflag:s22] =	dma.local [hbm:s5], s20  }
0x9e: {  	_ =	swait.ge [sflag:s22], s20  }
0x9f: {  	s4 =	ssub.s32 $0x0, s20;
	[sflag:s22] =	ssyncset.done $0x0  }
0xa0: {  	[sflag:s22] =	ssyncadd.s32 s4;
	_ =	sdelay $0x1  }
0xa1: {  	s23 =	simm.s32 $0x1B8B  }
0xa2: {  	_ =	swait.ge [sflag:s23], $0x1  }
0xa3: {  	[sflag:s23] =	ssyncset.done $0x0  }
0xa4: {  	s25 =	simm.s32 $0x1B8E;
	s24 =	sld [smem:$0x3FFE];
	[sflag:s23] =	ssyncadd.s32 $0xFFFFFFFF  }
0xa5: {  	s26 =	simm.s32 $execute0_lowered;
	[smem:$0x3FD2] =	sst s25  }
0xa6: {  	s5 =	sshll.u32 s26, $0x1;
	_ =	strace $0x80000046;
	[dreg:$0x1] =	wrdreg $0xFFFFFFFF  }
0xa7: {  	s28 =	simm.s32 $_size_execute0_lowered;
	s3 =	sadd.s32 s3, s5;
	[dreg:$0x0] =	wrdreg $0x0  }
0xa8: {  	s5 =	sshll.u32 s28, $0x1;
	[dreg:$0x2] =	wrdreg s3  }
0xa9: {  	[dreg:$0x3] =	wrdreg s5  }
0xaa: {  	[dreg:$0x4] =	wrdreg $0xC0  }
0xab: {  	_ =	task [dreg:s7], $0x5FFFF  }
0xac: {  	[dreg:$0x1] =	wrdreg $0xFFFFFFFF  }
0xad: {  	[dreg:$0x0] =	wrdreg $0x60  }
0xae: {  	[dreg:$0x2] =	wrdreg s2  }
0xaf: {  	[dreg:$0x3] =	wrdreg s24  }
0xb0: {  	[dreg:$0x4] =	wrdreg $0x9  }
0xb1: {  	_ =	task.clear_ibuf [dreg:s7], $0x5FFFF;
	_ =	strace $0x90000046  }
0xb2: {  	s29 =	simm.s32 $0x9;
	_ =	strace $0x80000048  }
0xb3: {  	_ =	swait.ge [sflag:s29], $0x1  }
0xb4: {  	[sflag:s29] =	ssyncadd.s32 $0xFFFFFFFF  }
0xb5: {  	_ =	strace $0x90000048  }
0xb6: {  	_ =	sfence  }
0xb7: {  	s30 =	sld [smem:$0x0];
	_ =	sdelay $0x2  }
0xb8: {  	s31 =	sshll.u32 s1, $0xD;
	s1 =	sshrl.u32 s1, $0x2  }
0xb9: {  	s3 =	sand.u32 $0x4000, s31;
	s1 =	sadd.s32 s1, s30  }
0xba: {  	s0 =	sor.u32 s3, s0;
	s1 =	sshll.u32 s1, $0x11  }
0xbb: {  	s0 =	sor.u32 s1, s0  }
0xbc: {  	s0 =	sadd.s32 $0x8F2B, s0  }
0xbd: {  	[sflag:s0] =	ssyncadd.remote.s32 $0x1  }
0xbe: {  	_ =	sfence.sel $0xFFFF  }
0xbf: {  	[dreg:$0x0] =	wrdreg $0xFFFFFFFF;
	(pc) =	sbr.abs _section_cstart, $3  }
0xc0: {  	[dreg:$0x1] =	wrdreg $0xFFFFFFFF  }
0xc1: {  	_ =	task.clear_ibuf [dreg:s7], $0x2FFFF;
	_ =	strace $0x9FFFFFFF  }
0xc2: {  	(tm) =	ssettm $0x7FFFFFFF  }
0xc3: {  	_ =	shalt  }
tec
execute0_lowered:
.L_overlay_start_1:
0x0: {  	(tag) =	ssettag $0x1  }
0x1: {  	s4 =	rddreg [dreg:$0x0]  }
0x2: {  	s1 =	srdreg.scid;
	s5 =	rddreg [dreg:$0x1]  }
0x3: {  	s2 =	simm.s32 $0x0;
	s3 =	sand.u32 $0x1, s1;
	s1 =	rddreg [dreg:$0x2]  }
0x4: {  	s23 =	simm.s32 $0x100;
	[smem:$0x7FF] =	sst s2  }
0x5: {  	s24 =	simm.s32 $0x180;
	_ =	strace $0x80000047;
	[dreg:$0x5] =	wrdreg s23  }
0x6: {  	s25 =	simm.s32 $0x200;
	[dreg:$0x6] =	wrdreg s24  }
0x7: {  	s26 =	simm.s32 $0x280;
	[dreg:$0x7] =	wrdreg s25  }
0x8: {  	s28 =	simm.s32 $0x300;
	[dreg:$0x8] =	wrdreg s26  }
0x9: {  	s29 =	simm.s32 $0x380;
	[dreg:$0x9] =	wrdreg s28  }
0xa: {  	s30 =	simm.s32 $0x400;
	[dreg:$0xa] =	wrdreg s29  }
0xb: {  	s31 =	simm.s32 $0x480;
	[dreg:$0xb] =	wrdreg s30  }
0xc: {  	s8 =	simm.s32 $0x600;
	[dreg:$0xc] =	wrdreg s31  }
0xd: {  	s9 =	simm.s32 $0x680;
	[dreg:$0xf] =	wrdreg s8  }
0xe: {  	s10 =	simm.s32 $0x700;
	[dreg:$0x10] =	wrdreg s9  }
0xf: {  	s11 =	simm.s32 $0x780;
	[dreg:$0x11] =	wrdreg s10  }
0x10: {  	s12 =	simm.s32 $0x800;
	[dreg:$0x12] =	wrdreg s11  }
0x11: {  	s13 =	simm.s32 $0x880;
	[dreg:$0x13] =	wrdreg s12  }
0x12: {  	s14 =	simm.s32 $0x900;
	[dreg:$0x14] =	wrdreg s13  }
0x13: {  	s15 =	simm.s32 $0x980;
	[dreg:$0x15] =	wrdreg s14  }
0x14: {  	s16 =	simm.s32 $0xA00;
	[dreg:$0x16] =	wrdreg s15  }
0x15: {  	s17 =	simm.s32 $0xA80;
	[dreg:$0x17] =	wrdreg s16  }
0x16: {  	s18 =	simm.s32 $0xB00;
	[dreg:$0x18] =	wrdreg s17  }
0x17: {  	s19 =	simm.s32 $0xB80;
	[dreg:$0x19] =	wrdreg s18  }
0x18: {  	s20 =	simm.s32 $0xC00;
	[dreg:$0x1a] =	wrdreg s19  }
0x19: {  	s21 =	simm.s32 $0xC80;
	[dreg:$0x1b] =	wrdreg s20  }
0x1a: {  	[dreg:$0x1c] =	wrdreg s21;
	s23 =	simm.s32 $0xD80  }
0x1b: {  	s25 =	simm.s32 $0xE00;
	[dreg:$0x1e] =	wrdreg s23  }
0x1c: {  	s0 =	stileid.u32;
	s26 =	simm.s32 $0xE80;
	[dreg:$0x1f] =	wrdreg s25  }
0x1d: {  	s6 =	sshll.u32 s0, $0x6;
	s29 =	simm.s32 $0xF00;
	[smem:$0x7FA] =	sst s26  }
0x1e: {  	s7 =	sshll.u32 s3, $0x5;
	s30 =	simm.s32 $0xF80;
	[smem:$0x7FB] =	sst s29  }
0x1f: {  	s3 =	ssub.s32 $0x2, s3;
	s31 =	simm.s32 $0x1000;
	[smem:$0x7FC] =	sst s30  }
0x20: {  	s6 =	sor.u32 s7, s6;
	s24 =	sshrl.u32 s3, $0x1;
	[smem:$0x7FD] =	sst s31  }
0x21: {  	s7 =	sshll.u32 s6, $0x4;
	s6 =	sshrl.u32 s6, $0x3;
	s3 =	ssub.s32 s3, s24  }
0x22: {  	s7 =	sadd.s32 s7, s5;
	s4 =	sadd.s32 s4, s6;
	s28 =	smax.u32 s3, $0x1  }
0x23: {  	s6 =	simm.s32 $0x500;
	[dreg:$0x3] =	wrdreg s4;
	p1 =	sne.s32 s28, $0x1  }
.Ltmp0:
0x24: {  	s22 =	sadd.s32 $0x187200, s7;
	[dreg:$0xd] =	wrdreg s6;
	(pc) =	sbr.rel @!p1 .LBB2_3-.Ltmp0, $4  }
0x25: {  	p0 =	por $0x0, $0x0;
	s7 =	simm.s32 $0x580;
	[dreg:$0x4] =	wrdreg s22  }
0x26: {  	s3 =	simm.s32 $0x2;
	s6 =	sadd.s32 $0x800, s5;
	[dreg:$0xe] =	wrdreg s7  }
0x27: {  	s4 =	simm.s32 $0x80;
	s22 =	simm.s32 $0xD00;
	s8 =	rddreg [dreg:$0x3]  }
0x28: {  	s5 =	simm.s32 $0x1;
	s7 =	sadd.s32 $0xFFFFFFFF, s28;
	[dreg:$0x1d] =	wrdreg s22  }
0x29: {  	[tilespmem:s2], [sflag:$0x2] =	stream.linear.gather [hbm4b:s8+s2], $0x20, $0x38;
	[tilespmem:$0x1080] =	vst v63  }
0x2a: {  	_ =	swait.ge [sflag:s3], $0x20  }
0x2b: {  	[sflag:s3] =	ssyncset.done $0x0  }
0x2c: {  	[sflag:s3] =	ssyncadd.s32 $0xFFFFFFE0  }
0x2d: {  	v0 =	vld [tilespmem:$0x0];
	_ =	sdelay $0x4  }
0x2e: {  	v0 =	vshll.u32 v0, $0x4  }
0x2f: {  	(v2sf) =	vpush v0, $0x0  }
0x30: {  	(v2sf) =	vpush v0, $0x1  }
0x31: {  	(v2sf) =	vpush v0, $0x2;
	_ =	sdelay $0x1  }
0x32: {  	s9 =	rddreg [dreg:$0x11];
	(v2sf) =	vpush v0, $0x3  }
0x33: {  	s10 =	rddreg [dreg:$0x10]  }
0x34: {  	s11 =	rddreg [dreg:$0xf];
	(v2sf) =	vpush v0, $0x4  }
0x35: {  	s12 =	rddreg [dreg:$0xe]  }
0x36: {  	s13 =	rddreg [dreg:$0xd];
	(v2sf) =	vpush v0, $0x5  }
0x37: {  	s14 =	rddreg [dreg:$0xc]  }
0x38: {  	s15 =	rddreg [dreg:$0xb];
	(v2sf) =	vpush v0, $0x6  }
0x39: {  	s16 =	rddreg [dreg:$0xa]  }
0x3a: {  	s17 =	rddreg [dreg:$0x9];
	(v2sf) =	vpush v0, $0x7  }
0x3b: {  	s18 =	rddreg [dreg:$0x8]  }
0x3c: {  	s19 =	rddreg [dreg:$0x7];
	(v2sf) =	vpush v0, $0x8  }
0x3d: {  	s20 =	rddreg [dreg:$0x6];
	s21 =	spop (v2sf)  }
0x3e: {  	s22 =	rddreg [dreg:$0x5];
	s21 =	sand.u32 $0x1FFFFFF0, s21;
	s23 =	spop (v2sf);
	(v2sf) =	vpush v0, $0x9  }
0x3f: {  	s21 =	sadd.s32 s6, s21;
	s23 =	sand.u32 $0x1FFFFFF0, s23;
	s24 =	spop (v2sf)  }
0x40: {  	(v2sf) =	vpush v0, $0xA;
	[tilespmem:s4], [sflag:$0x1] =	stream.linear.gather [hbm4b:s21+s2], $0x80, $0x38;
	[tilespmem:$0x1080] =	vst v63  }
0x41: {  	s29 =	sadd.s32 s6, s23;
	s30 =	sand.u32 $0x1FFFFFF0, s24;
	s31 =	spop (v2sf)  }
0x42: {  	(v2sf) =	vpush v0, $0xB;
	[tilespmem:s22], [sflag:$0x1] =	stream.linear.gather [hbm4b:s29+s2], $0x80, $0x38;
	[tilespmem:$0x1080] =	vst v63  }
0x43: {  	s25 =	sadd.s32 s6, s30;
	s26 =	sand.u32 $0x1FFFFFF0, s31;
	s28 =	spop (v2sf)  }
0x44: {  	(v2sf) =	vpush v0, $0xC;
	[tilespmem:s20], [sflag:$0x1] =	stream.linear.gather [hbm4b:s25+s2], $0x80, $0x38;
	[tilespmem:$0x1080] =	vst v63  }
0x45: {  	s29 =	sadd.s32 s6, s26;
	s30 =	sand.u32 $0x1FFFFFF0, s28;
	s31 =	spop (v2sf)  }
0x46: {  	(v2sf) =	vpush v0, $0xD;
	[tilespmem:s19], [sflag:$0x1] =	stream.linear.gather [hbm4b:s29+s2], $0x80, $0x38;
	[tilespmem:$0x1080] =	vst v63  }
0x47: {  	s21 =	sadd.s32 s6, s30;
	s23 =	sand.u32 $0x1FFFFFF0, s31;
	s24 =	spop (v2sf)  }
0x48: {  	(v2sf) =	vpush v0, $0xE;
	[tilespmem:s18], [sflag:$0x1] =	stream.linear.gather [hbm4b:s21+s2], $0x80, $0x38;
	[tilespmem:$0x1080] =	vst v63  }
0x49: {  	s25 =	sadd.s32 s6, s23;
	s26 =	sand.u32 $0x1FFFFFF0, s24;
	s28 =	spop (v2sf)  }
0x4a: {  	(v2sf) =	vpush v0, $0xF;
	[tilespmem:s17], [sflag:$0x1] =	stream.linear.gather [hbm4b:s25+s2], $0x80, $0x38;
	[tilespmem:$0x1080] =	vst v63  }
0x4b: {  	s30 =	sand.u32 $0x1FFFFFF0, s28;
	s31 =	spop (v2sf);
	s29 =	sadd.s32 s6, s26  }
0x4c: {  	[tilespmem:s16], [sflag:$0x1] =	stream.linear.gather [hbm4b:s29+s2], $0x80, $0x38;
	[tilespmem:$0x1080] =	vst v63  }
0x4d: {  	s20 =	sand.u32 $0x1FFFFFF0, s31;
	s18 =	sadd.s32 s6, s30;
	s21 =	spop (v2sf)  }
0x4e: {  	[tilespmem:s15], [sflag:$0x1] =	stream.linear.gather [hbm4b:s18+s2], $0x80, $0x38;
	[tilespmem:$0x1080] =	vst v63  }
0x4f: {  	s22 =	sadd.s32 s6, s20;
	s23 =	sand.u32 $0x1FFFFFF0, s21;
	s24 =	spop (v2sf)  }
0x50: {  	[tilespmem:s14], [sflag:$0x1] =	stream.linear.gather [hbm4b:s22+s2], $0x80, $0x38;
	[tilespmem:$0x1080] =	vst v63  }
0x51: {  	s25 =	sadd.s32 s6, s23;
	s26 =	sand.u32 $0x1FFFFFF0, s24;
	s28 =	spop (v2sf)  }
0x52: {  	[tilespmem:s13], [sflag:$0x1] =	stream.linear.gather [hbm4b:s25+s2], $0x80, $0x38;
	[tilespmem:$0x1080] =	vst v63  }
0x53: {  	s29 =	sadd.s32 s6, s26;
	s30 =	sand.u32 $0x1FFFFFF0, s28;
	s31 =	spop (v2sf)  }
0x54: {  	[tilespmem:s12], [sflag:$0x1] =	stream.linear.gather [hbm4b:s29+s2], $0x80, $0x38;
	[tilespmem:$0x1080] =	vst v63  }
0x55: {  	s14 =	sadd.s32 s6, s30;
	s15 =	sand.u32 $0x1FFFFFF0, s31;
	s16 =	spop (v2sf)  }
0x56: {  	[tilespmem:s11], [sflag:$0x1] =	stream.linear.gather [hbm4b:s14+s2], $0x80, $0x38;
	[tilespmem:$0x1080] =	vst v63  }
0x57: {  	s17 =	sadd.s32 s6, s15;
	s18 =	sand.u32 $0x1FFFFFF0, s16;
	s19 =	spop (v2sf)  }
0x58: {  	[tilespmem:s10], [sflag:$0x1] =	stream.linear.gather [hbm4b:s17+s2], $0x80, $0x38;
	[tilespmem:$0x1080] =	vst v63  }
0x59: {  	s20 =	sadd.s32 s6, s18;
	s21 =	sand.u32 $0x1FFFFFF0, s19;
	s22 =	spop (v2sf)  }
0x5a: {  	[tilespmem:s9], [sflag:$0x1] =	stream.linear.gather [hbm4b:s20+s2], $0x80, $0x38;
	[tilespmem:$0x1080] =	vst v63  }
0x5b: {  	s8 =	rddreg [dreg:$0x12];
	s23 =	sadd.s32 s6, s21;
	s24 =	sand.u32 $0x1FFFFFF0, s22  }
0x5c: {  	[tilespmem:s8], [sflag:$0x1] =	stream.linear.gather [hbm4b:s23+s2], $0x80, $0x38;
	[tilespmem:$0x1080] =	vst v63  }
0x5d: {  	s25 =	rddreg [dreg:$0x13];
	s26 =	sadd.s32 s6, s24  }
0x5e: {  	[tilespmem:s25], [sflag:$0x1] =	stream.linear.gather [hbm4b:s26+s2], $0x80, $0x38;
	[tilespmem:$0x1080] =	vst v63  }
0x5f: {  	v63 =	vld [tilespmem:$0x10];
	_ =	sdelay $0x4  }
0x60: {  	v0 =	vshll.u32 v63, $0x4  }
0x61: {  	(v2sf) =	vpush v0, $0x0  }
0x62: {  	(v2sf) =	vpush v0, $0x1  }
0x63: {  	s28 =	rddreg [dreg:$0x14];
	(v2sf) =	vpush v0, $0x2  }
0x64: {  	s30 =	rddreg [dreg:$0x15]  }
0x65: {  	s13 =	rddreg [dreg:$0x1d];
	(v2sf) =	vpush v0, $0x3  }
0x66: {  	s15 =	rddreg [dreg:$0x1b]  }
0x67: {  	s16 =	rddreg [dreg:$0x1a];
	(v2sf) =	vpush v0, $0x4  }
0x68: {  	s18 =	rddreg [dreg:$0x18]  }
0x69: {  	s19 =	rddreg [dreg:$0x17];
	(v2sf) =	vpush v0, $0x5  }
0x6a: {  	s12 =	rddreg [dreg:$0x1e]  }
0x6b: {  	s11 =	rddreg [dreg:$0x1f];
	(v2sf) =	vpush v0, $0x6  }
0x6c: {  	s14 =	rddreg [dreg:$0x1c]  }
0x6d: {  	s10 =	sld [smem:$0x7FA];
	(v2sf) =	vpush v0, $0x7  }
0x6e: {  	s17 =	rddreg [dreg:$0x19]  }
0x6f: {  	s9 =	sld [smem:$0x7FB];
	(v2sf) =	vpush v0, $0x8  }
0x70: {  	s20 =	rddreg [dreg:$0x16];
	s29 =	spop (v2sf)  }
0x71: {  	s8 =	sld [smem:$0x7FC];
	(v2sf) =	vpush v0, $0x9;
	s22 =	sand.u32 $0x1FFFFFF0, s29;
	s31 =	spop (v2sf)  }
0x72: {  	s22 =	sadd.s32 s6, s22;
	s24 =	sand.u32 $0x1FFFFFF0, s31;
	s25 =	spop (v2sf)  }
0x73: {  	(v2sf) =	vpush v0, $0xA;
	[tilespmem:s28], [sflag:$0x1] =	stream.linear.gather [hbm4b:s22+s2], $0x80, $0x38;
	[tilespmem:$0x1080] =	vst v63  }
0x74: {  	s24 =	sadd.s32 s6, s24;
	s26 =	sand.u32 $0x1FFFFFF0, s25;
	s28 =	spop (v2sf)  }
0x75: {  	(v2sf) =	vpush v0, $0xB;
	[tilespmem:s30], [sflag:$0x1] =	stream.linear.gather [hbm4b:s24+s2], $0x80, $0x38;
	[tilespmem:$0x1080] =	vst v63  }
0x76: {  	s29 =	sadd.s32 s6, s26;
	s31 =	spop (v2sf);
	s30 =	sand.u32 $0x1FFFFFF0, s28  }
0x77: {  	(v2sf) =	vpush v0, $0xC;
	[tilespmem:s20], [sflag:$0x1] =	stream.linear.gather [hbm4b:s29+s2], $0x80, $0x38;
	[tilespmem:$0x1080] =	vst v63  }
0x78: {  	s23 =	sand.u32 $0x1FFFFFF0, s31;
	s24 =	spop (v2sf);
	s22 =	sadd.s32 s6, s30  }
0x79: {  	(v2sf) =	vpush v0, $0xD;
	[tilespmem:s19], [sflag:$0x1] =	stream.linear.gather [hbm4b:s22+s2], $0x80, $0x38;
	[tilespmem:$0x1080] =	vst v63  }
0x7a: {  	s25 =	sadd.s32 s6, s23;
	s26 =	sand.u32 $0x1FFFFFF0, s24;
	s28 =	spop (v2sf)  }
0x7b: {  	(v2sf) =	vpush v0, $0xE;
	[tilespmem:s18], [sflag:$0x1] =	stream.linear.gather [hbm4b:s25+s2], $0x80, $0x38;
	[tilespmem:$0x1080] =	vst v63  }
0x7c: {  	s29 =	sadd.s32 s6, s26;
	s30 =	sand.u32 $0x1FFFFFF0, s28;
	s31 =	spop (v2sf)  }
0x7d: {  	(v2sf) =	vpush v0, $0xF;
	[tilespmem:s17], [sflag:$0x1] =	stream.linear.gather [hbm4b:s29+s2], $0x80, $0x38;
	[tilespmem:$0x1080] =	vst v63  }
0x7e: {  	s20 =	sand.u32 $0x1FFFFFF0, s31;
	s21 =	spop (v2sf);
	s19 =	sadd.s32 s6, s30  }
0x7f: {  	[tilespmem:s16], [sflag:$0x1] =	stream.linear.gather [hbm4b:s19+s2], $0x80, $0x38;
	[tilespmem:$0x1080] =	vst v63  }
0x80: {  	s22 =	sadd.s32 s6, s20;
	s23 =	sand.u32 $0x1FFFFFF0, s21;
	s24 =	spop (v2sf)  }
0x81: {  	[tilespmem:s15], [sflag:$0x1] =	stream.linear.gather [hbm4b:s22+s2], $0x80, $0x38;
	[tilespmem:$0x1080] =	vst v63  }
0x82: {  	s25 =	sadd.s32 s6, s23;
	s26 =	sand.u32 $0x1FFFFFF0, s24;
	s28 =	spop (v2sf)  }
0x83: {  	[tilespmem:s14], [sflag:$0x1] =	stream.linear.gather [hbm4b:s25+s2], $0x80, $0x38;
	[tilespmem:$0x1080] =	vst v63  }
0x84: {  	s29 =	sadd.s32 s6, s26;
	s30 =	sand.u32 $0x1FFFFFF0, s28;
	s31 =	spop (v2sf)  }
0x85: {  	[tilespmem:s13], [sflag:$0x1] =	stream.linear.gather [hbm4b:s29+s2], $0x80, $0x38;
	[tilespmem:$0x1080] =	vst v63  }
0x86: {  	s15 =	sand.u32 $0x1FFFFFF0, s31;
	s16 =	spop (v2sf);
	s14 =	sadd.s32 s6, s30  }
0x87: {  	[tilespmem:s12], [sflag:$0x1] =	stream.linear.gather [hbm4b:s14+s2], $0x80, $0x38;
	[tilespmem:$0x1080] =	vst v63  }
0x88: {  	s17 =	sadd.s32 s6, s15;
	s18 =	sand.u32 $0x1FFFFFF0, s16;
	s19 =	spop (v2sf)  }
0x89: {  	[tilespmem:s11], [sflag:$0x1] =	stream.linear.gather [hbm4b:s17+s2], $0x80, $0x38;
	[tilespmem:$0x1080] =	vst v63  }
0x8a: {  	s20 =	sadd.s32 s6, s18;
	s21 =	sand.u32 $0x1FFFFFF0, s19;
	s22 =	spop (v2sf)  }
0x8b: {  	[tilespmem:s10], [sflag:$0x1] =	stream.linear.gather [hbm4b:s20+s2], $0x80, $0x38;
	[tilespmem:$0x1080] =	vst v63  }
0x8c: {  	s23 =	sadd.s32 s6, s21;
	s24 =	sand.u32 $0x1FFFFFF0, s22;
	s25 =	spop (v2sf)  }
0x8d: {  	[tilespmem:s9], [sflag:$0x1] =	stream.linear.gather [hbm4b:s23+s2], $0x80, $0x38;
	[tilespmem:$0x1080] =	vst v63  }
0x8e: {  	s29 =	sld [smem:$0x7FD];
	s26 =	sadd.s32 s6, s24;
	s28 =	sand.u32 $0x1FFFFFF0, s25  }
0x8f: {  	[tilespmem:s8], [sflag:$0x1] =	stream.linear.gather [hbm4b:s26+s2], $0x80, $0x38;
	[tilespmem:$0x1080] =	vst v63  }
0x90: {  	s30 =	sadd.s32 s6, s28  }
0x91: {  	[tilespmem:s29], [sflag:$0x1] =	stream.linear.gather [hbm4b:s30+s2], $0x80, $0x38;
	[tilespmem:$0x1080] =	vst v63  }
0x92: {  	_ =	swait.ge [sflag:s5], $0x80  }
0x93: {  	[sflag:s5] =	ssyncset.done $0x0  }
0x94: {  	[sflag:s5] =	ssyncadd.s32 $0xFFFFFF80  }
0x95: {  	_ =	swait.ge [sflag:s5], $0x80  }
0x96: {  	[sflag:s5] =	ssyncset.done $0x0  }
0x97: {  	[sflag:s5] =	ssyncadd.s32 $0xFFFFFF80  }
0x98: {  	_ =	swait.ge [sflag:s5], $0x80  }
0x99: {  	[sflag:s5] =	ssyncset.done $0x0  }
0x9a: {  	[sflag:s5] =	ssyncadd.s32 $0xFFFFFF80  }
0x9b: {  	_ =	swait.ge [sflag:s5], $0x80  }
0x9c: {  	[sflag:s5] =	ssyncset.done $0x0  }
0x9d: {  	[sflag:s5] =	ssyncadd.s32 $0xFFFFFF80  }
0x9e: {  	_ =	swait.ge [sflag:s5], $0x80  }
0x9f: {  	[sflag:s5] =	ssyncset.done $0x0  }
0xa0: {  	[sflag:s5] =	ssyncadd.s32 $0xFFFFFF80  }
0xa1: {  	_ =	swait.ge [sflag:s5], $0x80  }
0xa2: {  	[sflag:s5] =	ssyncset.done $0x0  }
0xa3: {  	[sflag:s5] =	ssyncadd.s32 $0xFFFFFF80  }
0xa4: {  	_ =	swait.ge [sflag:s5], $0x80  }
0xa5: {  	[sflag:s5] =	ssyncset.done $0x0  }
0xa6: {  	[sflag:s5] =	ssyncadd.s32 $0xFFFFFF80  }
0xa7: {  	_ =	swait.ge [sflag:s5], $0x80  }
0xa8: {  	[sflag:s5] =	ssyncset.done $0x0  }
0xa9: {  	[sflag:s5] =	ssyncadd.s32 $0xFFFFFF80  }
0xaa: {  	_ =	swait.ge [sflag:s5], $0x80  }
0xab: {  	[sflag:s5] =	ssyncset.done $0x0  }
0xac: {  	[sflag:s5] =	ssyncadd.s32 $0xFFFFFF80  }
0xad: {  	_ =	swait.ge [sflag:s5], $0x80  }
0xae: {  	[sflag:s5] =	ssyncset.done $0x0  }
0xaf: {  	[sflag:s5] =	ssyncadd.s32 $0xFFFFFF80  }
0xb0: {  	_ =	swait.ge [sflag:s5], $0x80  }
0xb1: {  	[sflag:s5] =	ssyncset.done $0x0  }
0xb2: {  	[sflag:s5] =	ssyncadd.s32 $0xFFFFFF80  }
0xb3: {  	_ =	swait.ge [sflag:s5], $0x80  }
0xb4: {  	[sflag:s5] =	ssyncset.done $0x0  }
0xb5: {  	[sflag:s5] =	ssyncadd.s32 $0xFFFFFF80  }
0xb6: {  	_ =	swait.ge [sflag:s5], $0x80  }
0xb7: {  	[sflag:s5] =	ssyncset.done $0x0  }
0xb8: {  	[sflag:s5] =	ssyncadd.s32 $0xFFFFFF80  }
0xb9: {  	_ =	swait.ge [sflag:s5], $0x80  }
0xba: {  	[sflag:s5] =	ssyncset.done $0x0  }
0xbb: {  	[sflag:s5] =	ssyncadd.s32 $0xFFFFFF80  }
0xbc: {  	_ =	swait.ge [sflag:s5], $0x80  }
0xbd: {  	[sflag:s5] =	ssyncset.done $0x0  }
0xbe: {  	[sflag:s5] =	ssyncadd.s32 $0xFFFFFF80  }
0xbf: {  	_ =	swait.ge [sflag:s5], $0x80  }
0xc0: {  	[sflag:s5] =	ssyncset.done $0x0  }
0xc1: {  	[sflag:s5] =	ssyncadd.s32 $0xFFFFFF80  }
0xc2: {  	_ =	swait.ge [sflag:s5], $0x80  }
0xc3: {  	[sflag:s5] =	ssyncset.done $0x0  }
0xc4: {  	[sflag:s5] =	ssyncadd.s32 $0xFFFFFF80  }
0xc5: {  	_ =	swait.ge [sflag:s5], $0x80  }
0xc6: {  	[sflag:s5] =	ssyncset.done $0x0  }
0xc7: {  	[sflag:s5] =	ssyncadd.s32 $0xFFFFFF80  }
0xc8: {  	_ =	swait.ge [sflag:s5], $0x80  }
0xc9: {  	[sflag:s5] =	ssyncset.done $0x0  }
0xca: {  	[sflag:s5] =	ssyncadd.s32 $0xFFFFFF80  }
0xcb: {  	_ =	swait.ge [sflag:s5], $0x80  }
0xcc: {  	[sflag:s5] =	ssyncset.done $0x0  }
0xcd: {  	[sflag:s5] =	ssyncadd.s32 $0xFFFFFF80  }
0xce: {  	_ =	swait.ge [sflag:s5], $0x80  }
0xcf: {  	[sflag:s5] =	ssyncset.done $0x0  }
0xd0: {  	[sflag:s5] =	ssyncadd.s32 $0xFFFFFF80  }
0xd1: {  	_ =	swait.ge [sflag:s5], $0x80  }
0xd2: {  	[sflag:s5] =	ssyncset.done $0x0  }
0xd3: {  	[sflag:s5] =	ssyncadd.s32 $0xFFFFFF80  }
0xd4: {  	_ =	swait.ge [sflag:s5], $0x80  }
0xd5: {  	[sflag:s5] =	ssyncset.done $0x0  }
0xd6: {  	[sflag:s5] =	ssyncadd.s32 $0xFFFFFF80  }
0xd7: {  	_ =	swait.ge [sflag:s5], $0x80  }
0xd8: {  	[sflag:s5] =	ssyncset.done $0x0  }
0xd9: {  	[sflag:s5] =	ssyncadd.s32 $0xFFFFFF80  }
0xda: {  	_ =	swait.ge [sflag:s5], $0x80  }
0xdb: {  	[sflag:s5] =	ssyncset.done $0x0  }
0xdc: {  	[sflag:s5] =	ssyncadd.s32 $0xFFFFFF80  }
0xdd: {  	_ =	swait.ge [sflag:s5], $0x80  }
0xde: {  	[sflag:s5] =	ssyncset.done $0x0  }
0xdf: {  	[sflag:s5] =	ssyncadd.s32 $0xFFFFFF80  }
0xe0: {  	_ =	swait.ge [sflag:s5], $0x80  }
0xe1: {  	[sflag:s5] =	ssyncset.done $0x0  }
0xe2: {  	[sflag:s5] =	ssyncadd.s32 $0xFFFFFF80  }
0xe3: {  	_ =	swait.ge [sflag:s5], $0x80  }
0xe4: {  	[sflag:s5] =	ssyncset.done $0x0  }
0xe5: {  	[sflag:s5] =	ssyncadd.s32 $0xFFFFFF80  }
0xe6: {  	_ =	swait.ge [sflag:s5], $0x80  }
0xe7: {  	[sflag:s5] =	ssyncset.done $0x0  }
0xe8: {  	[sflag:s5] =	ssyncadd.s32 $0xFFFFFF80  }
0xe9: {  	_ =	swait.ge [sflag:s5], $0x80  }
0xea: {  	[sflag:s5] =	ssyncset.done $0x0  }
0xeb: {  	[sflag:s5] =	ssyncadd.s32 $0xFFFFFF80  }
0xec: {  	_ =	swait.ge [sflag:s5], $0x80  }
0xed: {  	[sflag:s5] =	ssyncset.done $0x0  }
0xee: {  	[sflag:s5] =	ssyncadd.s32 $0xFFFFFF80  }
0xef: {  	p1 =	sne.s32 s7, $0x1;
	_ =	swait.ge [sflag:s5], $0x80  }
.Ltmp1:
0xf0: {  	[sflag:s5] =	ssyncset.done $0x0;
	(pc) =	sbr.rel @!p1 .LBB2_3-.Ltmp1, $4  }
0xf1: {  	s31 =	rddreg [dreg:$0x4];
	[sflag:s5] =	ssyncadd.s32 $0xFFFFFF80  }
0xf2: {  	[hbm4b:s31+s2] =	stream.linear.scatter [tilespmem:s4], [sflag:$0x2], $0x1000, $0x38;
	[tilespmem:$0x1080] =	vst v63  }
0xf3: {  	s7 =	sadd.s32 $0xFFFFFFFF, s7;
	_ =	swait.ge [sflag:s3], $0x1000  }
0xf4: {  	p0 =	por $0x1, $0x1;
	s8 =	rddreg [dreg:$0x3];
	[sflag:s3] =	ssyncset.done $0x0  }
.LBB2_2:
0xf5: {  	[sflag:s3] =	ssyncadd.s32 $0xFFFFF000  }
0xf6: {  	[tilespmem:s2], [sflag:$0x2] =	stream.linear.gather [hbm4b:s8+s2], $0x20, $0x38;
	[tilespmem:$0x1080] =	vst v63  }
0xf7: {  	_ =	swait.ge [sflag:s3], $0x20  }
0xf8: {  	[sflag:s3] =	ssyncset.done $0x0  }
0xf9: {  	[sflag:s3] =	ssyncadd.s32 $0xFFFFFFE0  }
0xfa: {  	v0 =	vld [tilespmem:$0x0];
	_ =	sdelay $0x4  }
0xfb: {  	v0 =	vshll.u32 v0, $0x4  }
0xfc: {  	(v2sf) =	vpush v0, $0x0  }
0xfd: {  	(v2sf) =	vpush v0, $0x1  }
0xfe: {  	(v2sf) =	vpush v0, $0x2;
	_ =	sdelay $0x1  }
0xff: {  	s9 =	rddreg [dreg:$0x11];
	(v2sf) =	vpush v0, $0x3  }
0x100: {  	s10 =	rddreg [dreg:$0x10]  }
0x101: {  	s11 =	rddreg [dreg:$0xf];
	(v2sf) =	vpush v0, $0x4  }
0x102: {  	s12 =	rddreg [dreg:$0xe]  }
0x103: {  	s13 =	rddreg [dreg:$0xd];
	(v2sf) =	vpush v0, $0x5  }
0x104: {  	s14 =	rddreg [dreg:$0xc]  }
0x105: {  	s15 =	rddreg [dreg:$0xb];
	(v2sf) =	vpush v0, $0x6  }
0x106: {  	s16 =	rddreg [dreg:$0xa]  }
0x107: {  	s17 =	rddreg [dreg:$0x9];
	(v2sf) =	vpush v0, $0x7  }
0x108: {  	s18 =	rddreg [dreg:$0x8]  }
0x109: {  	s19 =	rddreg [dreg:$0x7];
	(v2sf) =	vpush v0, $0x8  }
0x10a: {  	s20 =	rddreg [dreg:$0x6];
	s21 =	spop (v2sf)  }
0x10b: {  	s22 =	rddreg [dreg:$0x5];
	s21 =	sand.u32 $0x1FFFFFF0, s21;
	s23 =	spop (v2sf);
	(v2sf) =	vpush v0, $0x9  }
0x10c: {  	s21 =	sadd.s32 s6, s21;
	s23 =	sand.u32 $0x1FFFFFF0, s23;
	s24 =	spop (v2sf)  }
0x10d: {  	(v2sf) =	vpush v0, $0xA;
	[tilespmem:s4], [sflag:$0x1] =	stream.linear.gather [hbm4b:s21+s2], $0x80, $0x38;
	[tilespmem:$0x1080] =	vst v63  }
0x10e: {  	s29 =	sadd.s32 s6, s23;
	s30 =	sand.u32 $0x1FFFFFF0, s24;
	s31 =	spop (v2sf)  }
0x10f: {  	(v2sf) =	vpush v0, $0xB;
	[tilespmem:s22], [sflag:$0x1] =	stream.linear.gather [hbm4b:s29+s2], $0x80, $0x38;
	[tilespmem:$0x1080] =	vst v63  }
0x110: {  	s25 =	sadd.s32 s6, s30;
	s26 =	sand.u32 $0x1FFFFFF0, s31;
	s28 =	spop (v2sf)  }
0x111: {  	(v2sf) =	vpush v0, $0xC;
	[tilespmem:s20], [sflag:$0x1] =	stream.linear.gather [hbm4b:s25+s2], $0x80, $0x38;
	[tilespmem:$0x1080] =	vst v63  }
0x112: {  	s29 =	sadd.s32 s6, s26;
	s30 =	sand.u32 $0x1FFFFFF0, s28;
	s31 =	spop (v2sf)  }
0x113: {  	(v2sf) =	vpush v0, $0xD;
	[tilespmem:s19], [sflag:$0x1] =	stream.linear.gather [hbm4b:s29+s2], $0x80, $0x38;
	[tilespmem:$0x1080] =	vst v63  }
0x114: {  	s21 =	sadd.s32 s6, s30;
	s23 =	sand.u32 $0x1FFFFFF0, s31;
	s24 =	spop (v2sf)  }
0x115: {  	(v2sf) =	vpush v0, $0xE;
	[tilespmem:s18], [sflag:$0x1] =	stream.linear.gather [hbm4b:s21+s2], $0x80, $0x38;
	[tilespmem:$0x1080] =	vst v63  }
0x116: {  	s25 =	sadd.s32 s6, s23;
	s26 =	sand.u32 $0x1FFFFFF0, s24;
	s28 =	spop (v2sf)  }
0x117: {  	(v2sf) =	vpush v0, $0xF;
	[tilespmem:s17], [sflag:$0x1] =	stream.linear.gather [hbm4b:s25+s2], $0x80, $0x38;
	[tilespmem:$0x1080] =	vst v63  }
0x118: {  	s30 =	sand.u32 $0x1FFFFFF0, s28;
	s31 =	spop (v2sf);
	s29 =	sadd.s32 s6, s26  }
0x119: {  	[tilespmem:s16], [sflag:$0x1] =	stream.linear.gather [hbm4b:s29+s2], $0x80, $0x38;
	[tilespmem:$0x1080] =	vst v63  }
0x11a: {  	s20 =	sand.u32 $0x1FFFFFF0, s31;
	s18 =	sadd.s32 s6, s30;
	s21 =	spop (v2sf)  }
0x11b: {  	[tilespmem:s15], [sflag:$0x1] =	stream.linear.gather [hbm4b:s18+s2], $0x80, $0x38;
	[tilespmem:$0x1080] =	vst v63  }
0x11c: {  	s22 =	sadd.s32 s6, s20;
	s23 =	sand.u32 $0x1FFFFFF0, s21;
	s24 =	spop (v2sf)  }
0x11d: {  	[tilespmem:s14], [sflag:$0x1] =	stream.linear.gather [hbm4b:s22+s2], $0x80, $0x38;
	[tilespmem:$0x1080] =	vst v63  }
0x11e: {  	s25 =	sadd.s32 s6, s23;
	s26 =	sand.u32 $0x1FFFFFF0, s24;
	s28 =	spop (v2sf)  }
0x11f: {  	[tilespmem:s13], [sflag:$0x1] =	stream.linear.gather [hbm4b:s25+s2], $0x80, $0x38;
	[tilespmem:$0x1080] =	vst v63  }
0x120: {  	s29 =	sadd.s32 s6, s26;
	s30 =	sand.u32 $0x1FFFFFF0, s28;
	s31 =	spop (v2sf)  }
0x121: {  	[tilespmem:s12], [sflag:$0x1] =	stream.linear.gather [hbm4b:s29+s2], $0x80, $0x38;
	[tilespmem:$0x1080] =	vst v63  }
0x122: {  	s14 =	sadd.s32 s6, s30;
	s15 =	sand.u32 $0x1FFFFFF0, s31;
	s16 =	spop (v2sf)  }
0x123: {  	[tilespmem:s11], [sflag:$0x1] =	stream.linear.gather [hbm4b:s14+s2], $0x80, $0x38;
	[tilespmem:$0x1080] =	vst v63  }
0x124: {  	s17 =	sadd.s32 s6, s15;
	s18 =	sand.u32 $0x1FFFFFF0, s16;
	s19 =	spop (v2sf)  }
0x125: {  	[tilespmem:s10], [sflag:$0x1] =	stream.linear.gather [hbm4b:s17+s2], $0x80, $0x38;
	[tilespmem:$0x1080] =	vst v63  }
0x126: {  	s20 =	sadd.s32 s6, s18;
	s21 =	sand.u32 $0x1FFFFFF0, s19;
	s22 =	spop (v2sf)  }
0x127: {  	[tilespmem:s9], [sflag:$0x1] =	stream.linear.gather [hbm4b:s20+s2], $0x80, $0x38;
	[tilespmem:$0x1080] =	vst v63  }
0x128: {  	s8 =	rddreg [dreg:$0x12];
	s23 =	sadd.s32 s6, s21;
	s24 =	sand.u32 $0x1FFFFFF0, s22  }
0x129: {  	[tilespmem:s8], [sflag:$0x1] =	stream.linear.gather [hbm4b:s23+s2], $0x80, $0x38;
	[tilespmem:$0x1080] =	vst v63  }
0x12a: {  	s25 =	rddreg [dreg:$0x13];
	s26 =	sadd.s32 s6, s24  }
0x12b: {  	[tilespmem:s25], [sflag:$0x1] =	stream.linear.gather [hbm4b:s26+s2], $0x80, $0x38;
	[tilespmem:$0x1080] =	vst v63  }
0x12c: {  	v63 =	vld [tilespmem:$0x10];
	_ =	sdelay $0x4  }
0x12d: {  	v0 =	vshll.u32 v63, $0x4  }
0x12e: {  	(v2sf) =	vpush v0, $0x0  }
0x12f: {  	(v2sf) =	vpush v0, $0x1  }
0x130: {  	s28 =	rddreg [dreg:$0x14];
	(v2sf) =	vpush v0, $0x2  }
0x131: {  	s30 =	rddreg [dreg:$0x15]  }
0x132: {  	s13 =	rddreg [dreg:$0x1d];
	(v2sf) =	vpush v0, $0x3  }
0x133: {  	s15 =	rddreg [dreg:$0x1b]  }
0x134: {  	s16 =	rddreg [dreg:$0x1a];
	(v2sf) =	vpush v0, $0x4  }
0x135: {  	s18 =	rddreg [dreg:$0x18]  }
0x136: {  	s19 =	rddreg [dreg:$0x17];
	(v2sf) =	vpush v0, $0x5  }
0x137: {  	s12 =	rddreg [dreg:$0x1e]  }
0x138: {  	s11 =	rddreg [dreg:$0x1f];
	(v2sf) =	vpush v0, $0x6  }
0x139: {  	s14 =	rddreg [dreg:$0x1c]  }
0x13a: {  	s10 =	sld [smem:$0x7FA];
	(v2sf) =	vpush v0, $0x7  }
0x13b: {  	s17 =	rddreg [dreg:$0x19]  }
0x13c: {  	s9 =	sld [smem:$0x7FB];
	(v2sf) =	vpush v0, $0x8  }
0x13d: {  	s20 =	rddreg [dreg:$0x16];
	s29 =	spop (v2sf)  }
0x13e: {  	s8 =	sld [smem:$0x7FC];
	s22 =	sand.u32 $0x1FFFFFF0, s29;
	s31 =	spop (v2sf);
	(v2sf) =	vpush v0, $0x9  }
0x13f: {  	s22 =	sadd.s32 s6, s22;
	s24 =	sand.u32 $0x1FFFFFF0, s31;
	s25 =	spop (v2sf)  }
0x140: {  	(v2sf) =	vpush v0, $0xA;
	[tilespmem:s28], [sflag:$0x1] =	stream.linear.gather [hbm4b:s22+s2], $0x80, $0x38;
	[tilespmem:$0x1080] =	vst v63  }
0x141: {  	s24 =	sadd.s32 s6, s24;
	s26 =	sand.u32 $0x1FFFFFF0, s25;
	s28 =	spop (v2sf)  }
0x142: {  	(v2sf) =	vpush v0, $0xB;
	[tilespmem:s30], [sflag:$0x1] =	stream.linear.gather [hbm4b:s24+s2], $0x80, $0x38;
	[tilespmem:$0x1080] =	vst v63  }
0x143: {  	s29 =	sadd.s32 s6, s26;
	s31 =	spop (v2sf);
	s30 =	sand.u32 $0x1FFFFFF0, s28  }
0x144: {  	(v2sf) =	vpush v0, $0xC;
	[tilespmem:s20], [sflag:$0x1] =	stream.linear.gather [hbm4b:s29+s2], $0x80, $0x38;
	[tilespmem:$0x1080] =	vst v63  }
0x145: {  	s23 =	sand.u32 $0x1FFFFFF0, s31;
	s24 =	spop (v2sf);
	s22 =	sadd.s32 s6, s30  }
0x146: {  	(v2sf) =	vpush v0, $0xD;
	[tilespmem:s19], [sflag:$0x1] =	stream.linear.gather [hbm4b:s22+s2], $0x80, $0x38;
	[tilespmem:$0x1080] =	vst v63  }
0x147: {  	s25 =	sadd.s32 s6, s23;
	s26 =	sand.u32 $0x1FFFFFF0, s24;
	s28 =	spop (v2sf)  }
0x148: {  	(v2sf) =	vpush v0, $0xE;
	[tilespmem:s18], [sflag:$0x1] =	stream.linear.gather [hbm4b:s25+s2], $0x80, $0x38;
	[tilespmem:$0x1080] =	vst v63  }
0x149: {  	s29 =	sadd.s32 s6, s26;
	s30 =	sand.u32 $0x1FFFFFF0, s28;
	s31 =	spop (v2sf)  }
0x14a: {  	(v2sf) =	vpush v0, $0xF;
	[tilespmem:s17], [sflag:$0x1] =	stream.linear.gather [hbm4b:s29+s2], $0x80, $0x38;
	[tilespmem:$0x1080] =	vst v63  }
0x14b: {  	s20 =	sand.u32 $0x1FFFFFF0, s31;
	s21 =	spop (v2sf);
	s19 =	sadd.s32 s6, s30  }
0x14c: {  	[tilespmem:s16], [sflag:$0x1] =	stream.linear.gather [hbm4b:s19+s2], $0x80, $0x38;
	[tilespmem:$0x1080] =	vst v63  }
0x14d: {  	s22 =	sadd.s32 s6, s20;
	s23 =	sand.u32 $0x1FFFFFF0, s21;
	s24 =	spop (v2sf)  }
0x14e: {  	[tilespmem:s15], [sflag:$0x1] =	stream.linear.gather [hbm4b:s22+s2], $0x80, $0x38;
	[tilespmem:$0x1080] =	vst v63  }
0x14f: {  	s25 =	sadd.s32 s6, s23;
	s26 =	sand.u32 $0x1FFFFFF0, s24;
	s28 =	spop (v2sf)  }
0x150: {  	[tilespmem:s14], [sflag:$0x1] =	stream.linear.gather [hbm4b:s25+s2], $0x80, $0x38;
	[tilespmem:$0x1080] =	vst v63  }
0x151: {  	s29 =	sadd.s32 s6, s26;
	s30 =	sand.u32 $0x1FFFFFF0, s28;
	s31 =	spop (v2sf)  }
0x152: {  	[tilespmem:s13], [sflag:$0x1] =	stream.linear.gather [hbm4b:s29+s2], $0x80, $0x38;
	[tilespmem:$0x1080] =	vst v63  }
0x153: {  	s14 =	sadd.s32 s6, s30;
	s15 =	sand.u32 $0x1FFFFFF0, s31;
	s16 =	spop (v2sf)  }
0x154: {  	[tilespmem:s12], [sflag:$0x1] =	stream.linear.gather [hbm4b:s14+s2], $0x80, $0x38;
	[tilespmem:$0x1080] =	vst v63  }
0x155: {  	s17 =	sadd.s32 s6, s15;
	s18 =	sand.u32 $0x1FFFFFF0, s16;
	s19 =	spop (v2sf)  }
0x156: {  	[tilespmem:s11], [sflag:$0x1] =	stream.linear.gather [hbm4b:s17+s2], $0x80, $0x38;
	[tilespmem:$0x1080] =	vst v63  }
0x157: {  	s20 =	sadd.s32 s6, s18;
	s21 =	sand.u32 $0x1FFFFFF0, s19;
	s22 =	spop (v2sf)  }
0x158: {  	[tilespmem:s10], [sflag:$0x1] =	stream.linear.gather [hbm4b:s20+s2], $0x80, $0x38;
	[tilespmem:$0x1080] =	vst v63  }
0x159: {  	s23 =	sadd.s32 s6, s21;
	s24 =	sand.u32 $0x1FFFFFF0, s22;
	s25 =	spop (v2sf)  }
0x15a: {  	[tilespmem:s9], [sflag:$0x1] =	stream.linear.gather [hbm4b:s23+s2], $0x80, $0x38;
	[tilespmem:$0x1080] =	vst v63  }
0x15b: {  	s29 =	sld [smem:$0x7FD];
	s26 =	sadd.s32 s6, s24;
	s28 =	sand.u32 $0x1FFFFFF0, s25  }
0x15c: {  	[tilespmem:s8], [sflag:$0x1] =	stream.linear.gather [hbm4b:s26+s2], $0x80, $0x38;
	[tilespmem:$0x1080] =	vst v63  }
0x15d: {  	s30 =	sadd.s32 s6, s28  }
0x15e: {  	[tilespmem:s29], [sflag:$0x1] =	stream.linear.gather [hbm4b:s30+s2], $0x80, $0x38;
	[tilespmem:$0x1080] =	vst v63  }
0x15f: {  	_ =	swait.ge [sflag:s5], $0x80  }
0x160: {  	[sflag:s5] =	ssyncset.done $0x0  }
0x161: {  	[sflag:s5] =	ssyncadd.s32 $0xFFFFFF80  }
0x162: {  	_ =	swait.ge [sflag:s5], $0x80  }
0x163: {  	[sflag:s5] =	ssyncset.done $0x0  }
0x164: {  	[sflag:s5] =	ssyncadd.s32 $0xFFFFFF80  }
0x165: {  	_ =	swait.ge [sflag:s5], $0x80  }
0x166: {  	[sflag:s5] =	ssyncset.done $0x0  }
0x167: {  	[sflag:s5] =	ssyncadd.s32 $0xFFFFFF80  }
0x168: {  	_ =	swait.ge [sflag:s5], $0x80  }
0x169: {  	[sflag:s5] =	ssyncset.done $0x0  }
0x16a: {  	[sflag:s5] =	ssyncadd.s32 $0xFFFFFF80  }
0x16b: {  	_ =	swait.ge [sflag:s5], $0x80  }
0x16c: {  	[sflag:s5] =	ssyncset.done $0x0  }
0x16d: {  	[sflag:s5] =	ssyncadd.s32 $0xFFFFFF80  }
0x16e: {  	_ =	swait.ge [sflag:s5], $0x80  }
0x16f: {  	[sflag:s5] =	ssyncset.done $0x0  }
0x170: {  	[sflag:s5] =	ssyncadd.s32 $0xFFFFFF80  }
0x171: {  	_ =	swait.ge [sflag:s5], $0x80  }
0x172: {  	[sflag:s5] =	ssyncset.done $0x0  }
0x173: {  	[sflag:s5] =	ssyncadd.s32 $0xFFFFFF80  }
0x174: {  	_ =	swait.ge [sflag:s5], $0x80  }
0x175: {  	[sflag:s5] =	ssyncset.done $0x0  }
0x176: {  	[sflag:s5] =	ssyncadd.s32 $0xFFFFFF80  }
0x177: {  	_ =	swait.ge [sflag:s5], $0x80  }
0x178: {  	[sflag:s5] =	ssyncset.done $0x0  }
0x179: {  	[sflag:s5] =	ssyncadd.s32 $0xFFFFFF80  }
0x17a: {  	_ =	swait.ge [sflag:s5], $0x80  }
0x17b: {  	[sflag:s5] =	ssyncset.done $0x0  }
0x17c: {  	[sflag:s5] =	ssyncadd.s32 $0xFFFFFF80  }
0x17d: {  	_ =	swait.ge [sflag:s5], $0x80  }
0x17e: {  	[sflag:s5] =	ssyncset.done $0x0  }
0x17f: {  	[sflag:s5] =	ssyncadd.s32 $0xFFFFFF80  }
0x180: {  	_ =	swait.ge [sflag:s5], $0x80  }
0x181: {  	[sflag:s5] =	ssyncset.done $0x0  }
0x182: {  	[sflag:s5] =	ssyncadd.s32 $0xFFFFFF80  }
0x183: {  	_ =	swait.ge [sflag:s5], $0x80  }
0x184: {  	[sflag:s5] =	ssyncset.done $0x0  }
0x185: {  	[sflag:s5] =	ssyncadd.s32 $0xFFFFFF80  }
0x186: {  	_ =	swait.ge [sflag:s5], $0x80  }
0x187: {  	[sflag:s5] =	ssyncset.done $0x0  }
0x188: {  	[sflag:s5] =	ssyncadd.s32 $0xFFFFFF80  }
0x189: {  	_ =	swait.ge [sflag:s5], $0x80  }
0x18a: {  	[sflag:s5] =	ssyncset.done $0x0  }
0x18b: {  	[sflag:s5] =	ssyncadd.s32 $0xFFFFFF80  }
0x18c: {  	_ =	swait.ge [sflag:s5], $0x80  }
0x18d: {  	[sflag:s5] =	ssyncset.done $0x0  }
0x18e: {  	[sflag:s5] =	ssyncadd.s32 $0xFFFFFF80  }
0x18f: {  	_ =	swait.ge [sflag:s5], $0x80  }
0x190: {  	[sflag:s5] =	ssyncset.done $0x0  }
0x191: {  	[sflag:s5] =	ssyncadd.s32 $0xFFFFFF80  }
0x192: {  	_ =	swait.ge [sflag:s5], $0x80  }
0x193: {  	[sflag:s5] =	ssyncset.done $0x0  }
0x194: {  	[sflag:s5] =	ssyncadd.s32 $0xFFFFFF80  }
0x195: {  	_ =	swait.ge [sflag:s5], $0x80  }
0x196: {  	[sflag:s5] =	ssyncset.done $0x0  }
0x197: {  	[sflag:s5] =	ssyncadd.s32 $0xFFFFFF80  }
0x198: {  	_ =	swait.ge [sflag:s5], $0x80  }
0x199: {  	[sflag:s5] =	ssyncset.done $0x0  }
0x19a: {  	[sflag:s5] =	ssyncadd.s32 $0xFFFFFF80  }
0x19b: {  	_ =	swait.ge [sflag:s5], $0x80  }
0x19c: {  	[sflag:s5] =	ssyncset.done $0x0  }
0x19d: {  	[sflag:s5] =	ssyncadd.s32 $0xFFFFFF80  }
0x19e: {  	_ =	swait.ge [sflag:s5], $0x80  }
0x19f: {  	[sflag:s5] =	ssyncset.done $0x0  }
0x1a0: {  	[sflag:s5] =	ssyncadd.s32 $0xFFFFFF80  }
0x1a1: {  	_ =	swait.ge [sflag:s5], $0x80  }
0x1a2: {  	[sflag:s5] =	ssyncset.done $0x0  }
0x1a3: {  	[sflag:s5] =	ssyncadd.s32 $0xFFFFFF80  }
0x1a4: {  	_ =	swait.ge [sflag:s5], $0x80  }
0x1a5: {  	[sflag:s5] =	ssyncset.done $0x0  }
0x1a6: {  	[sflag:s5] =	ssyncadd.s32 $0xFFFFFF80  }
0x1a7: {  	_ =	swait.ge [sflag:s5], $0x80  }
0x1a8: {  	[sflag:s5] =	ssyncset.done $0x0  }
0x1a9: {  	[sflag:s5] =	ssyncadd.s32 $0xFFFFFF80  }
0x1aa: {  	_ =	swait.ge [sflag:s5], $0x80  }
0x1ab: {  	[sflag:s5] =	ssyncset.done $0x0  }
0x1ac: {  	[sflag:s5] =	ssyncadd.s32 $0xFFFFFF80  }
0x1ad: {  	_ =	swait.ge [sflag:s5], $0x80  }
0x1ae: {  	[sflag:s5] =	ssyncset.done $0x0  }
0x1af: {  	[sflag:s5] =	ssyncadd.s32 $0xFFFFFF80  }
0x1b0: {  	_ =	swait.ge [sflag:s5], $0x80  }
0x1b1: {  	[sflag:s5] =	ssyncset.done $0x0  }
0x1b2: {  	[sflag:s5] =	ssyncadd.s32 $0xFFFFFF80  }
0x1b3: {  	_ =	swait.ge [sflag:s5], $0x80  }
0x1b4: {  	[sflag:s5] =	ssyncset.done $0x0  }
0x1b5: {  	[sflag:s5] =	ssyncadd.s32 $0xFFFFFF80  }
0x1b6: {  	_ =	swait.ge [sflag:s5], $0x80  }
0x1b7: {  	[sflag:s5] =	ssyncset.done $0x0  }
0x1b8: {  	[sflag:s5] =	ssyncadd.s32 $0xFFFFFF80  }
0x1b9: {  	_ =	swait.ge [sflag:s5], $0x80  }
0x1ba: {  	[sflag:s5] =	ssyncset.done $0x0  }
0x1bb: {  	[sflag:s5] =	ssyncadd.s32 $0xFFFFFF80  }
0x1bc: {  	p1 =	sne.s32 s7, $0x1;
	_ =	swait.ge [sflag:s5], $0x80  }
.Ltmp2:
0x1bd: {  	[sflag:s5] =	ssyncset.done $0x0;
	(pc) =	sbr.rel @p1 .LBB2_2-.Ltmp2, $4  }
0x1be: {  	s31 =	rddreg [dreg:$0x4];
	[sflag:s5] =	ssyncadd.s32 $0xFFFFFF80  }
0x1bf: {  	[hbm4b:s31+s2] =	stream.linear.scatter [tilespmem:s4], [sflag:$0x2], $0x1000, $0x38;
	[tilespmem:$0x1080] =	vst v63  }
0x1c0: {  	_ =	swait.ge [sflag:s3], $0x1000  }
0x1c1: {  	s7 =	sadd.s32 $0xFFFFFFFF, s7;
	s8 =	rddreg [dreg:$0x3];
	[sflag:s3] =	ssyncset.done $0x0  }
.LBB2_3:
0x1c2: {  	[sflag:s3] =	ssyncadd.s32 @p0 $0xFFFFF000  }
0x1c3: {  	[tilespmem:s2], [sflag:$0x2] =	stream.linear.gather [hbm4b:s8+s2], $0x20, $0x38;
	[tilespmem:$0x1080] =	vst v63  }
0x1c4: {  	_ =	swait.ge [sflag:s3], $0x20  }
0x1c5: {  	[sflag:s3] =	ssyncset.done $0x0  }
0x1c6: {  	[sflag:s3] =	ssyncadd.s32 $0xFFFFFFE0  }
0x1c7: {  	v0 =	vld [tilespmem:$0x0];
	_ =	sdelay $0x4  }
0x1c8: {  	v0 =	vshll.u32 v0, $0x4  }
0x1c9: {  	(v2sf) =	vpush v0, $0x0  }
0x1ca: {  	(v2sf) =	vpush v0, $0x1  }
0x1cb: {  	(v2sf) =	vpush v0, $0x2;
	_ =	sdelay $0x1  }
0x1cc: {  	s8 =	rddreg [dreg:$0x11];
	(v2sf) =	vpush v0, $0x3  }
0x1cd: {  	s9 =	rddreg [dreg:$0x10]  }
0x1ce: {  	s10 =	rddreg [dreg:$0xf];
	(v2sf) =	vpush v0, $0x4  }
0x1cf: {  	s11 =	rddreg [dreg:$0xe]  }
0x1d0: {  	s12 =	rddreg [dreg:$0xd];
	(v2sf) =	vpush v0, $0x5  }
0x1d1: {  	s13 =	rddreg [dreg:$0xc]  }
0x1d2: {  	s14 =	rddreg [dreg:$0xb];
	(v2sf) =	vpush v0, $0x6  }
0x1d3: {  	s15 =	rddreg [dreg:$0xa]  }
0x1d4: {  	s16 =	rddreg [dreg:$0x9];
	(v2sf) =	vpush v0, $0x7  }
0x1d5: {  	s17 =	rddreg [dreg:$0x8]  }
0x1d6: {  	s18 =	rddreg [dreg:$0x7];
	(v2sf) =	vpush v0, $0x8  }
0x1d7: {  	s19 =	rddreg [dreg:$0x6];
	s20 =	spop (v2sf)  }
0x1d8: {  	s21 =	rddreg [dreg:$0x5];
	s20 =	sand.u32 $0x1FFFFFF0, s20;
	s22 =	spop (v2sf);
	(v2sf) =	vpush v0, $0x9  }
0x1d9: {  	s20 =	sadd.s32 s6, s20;
	s22 =	sand.u32 $0x1FFFFFF0, s22;
	s23 =	spop (v2sf)  }
0x1da: {  	(v2sf) =	vpush v0, $0xA;
	[tilespmem:s4], [sflag:$0x1] =	stream.linear.gather [hbm4b:s20+s2], $0x80, $0x38;
	[tilespmem:$0x1080] =	vst v63  }
0x1db: {  	s22 =	sadd.s32 s6, s22;
	s23 =	sand.u32 $0x1FFFFFF0, s23;
	s24 =	spop (v2sf)  }
0x1dc: {  	(v2sf) =	vpush v0, $0xB;
	[tilespmem:s21], [sflag:$0x1] =	stream.linear.gather [hbm4b:s22+s2], $0x80, $0x38;
	[tilespmem:$0x1080] =	vst v63  }
0x1dd: {  	s25 =	sadd.s32 s6, s23;
	s26 =	sand.u32 $0x1FFFFFF0, s24;
	s28 =	spop (v2sf)  }
0x1de: {  	(v2sf) =	vpush v0, $0xC;
	[tilespmem:s19], [sflag:$0x1] =	stream.linear.gather [hbm4b:s25+s2], $0x80, $0x38;
	[tilespmem:$0x1080] =	vst v63  }
0x1df: {  	s29 =	sadd.s32 s6, s26;
	s30 =	sand.u32 $0x1FFFFFF0, s28;
	s31 =	spop (v2sf)  }
0x1e0: {  	(v2sf) =	vpush v0, $0xD;
	[tilespmem:s18], [sflag:$0x1] =	stream.linear.gather [hbm4b:s29+s2], $0x80, $0x38;
	[tilespmem:$0x1080] =	vst v63  }
0x1e1: {  	s22 =	sadd.s32 s6, s30;
	s23 =	sand.u32 $0x1FFFFFF0, s31;
	s24 =	spop (v2sf)  }
0x1e2: {  	(v2sf) =	vpush v0, $0xE;
	[tilespmem:s17], [sflag:$0x1] =	stream.linear.gather [hbm4b:s22+s2], $0x80, $0x38;
	[tilespmem:$0x1080] =	vst v63  }
0x1e3: {  	s25 =	sadd.s32 s6, s23;
	s26 =	sand.u32 $0x1FFFFFF0, s24;
	s28 =	spop (v2sf)  }
0x1e4: {  	(v2sf) =	vpush v0, $0xF;
	[tilespmem:s16], [sflag:$0x1] =	stream.linear.gather [hbm4b:s25+s2], $0x80, $0x38;
	[tilespmem:$0x1080] =	vst v63  }
0x1e5: {  	s30 =	sand.u32 $0x1FFFFFF0, s28;
	s31 =	spop (v2sf);
	s29 =	sadd.s32 s6, s26  }
0x1e6: {  	[tilespmem:s15], [sflag:$0x1] =	stream.linear.gather [hbm4b:s29+s2], $0x80, $0x38;
	[tilespmem:$0x1080] =	vst v63  }
0x1e7: {  	s19 =	sadd.s32 s6, s30;
	s20 =	sand.u32 $0x1FFFFFF0, s31;
	s21 =	spop (v2sf)  }
0x1e8: {  	[tilespmem:s14], [sflag:$0x1] =	stream.linear.gather [hbm4b:s19+s2], $0x80, $0x38;
	[tilespmem:$0x1080] =	vst v63  }
0x1e9: {  	s22 =	sadd.s32 s6, s20;
	s23 =	sand.u32 $0x1FFFFFF0, s21;
	s24 =	spop (v2sf)  }
0x1ea: {  	[tilespmem:s13], [sflag:$0x1] =	stream.linear.gather [hbm4b:s22+s2], $0x80, $0x38;
	[tilespmem:$0x1080] =	vst v63  }
0x1eb: {  	s25 =	sadd.s32 s6, s23;
	s26 =	sand.u32 $0x1FFFFFF0, s24;
	s28 =	spop (v2sf)  }
0x1ec: {  	[tilespmem:s12], [sflag:$0x1] =	stream.linear.gather [hbm4b:s25+s2], $0x80, $0x38;
	[tilespmem:$0x1080] =	vst v63  }
0x1ed: {  	s29 =	sadd.s32 s6, s26;
	s30 =	sand.u32 $0x1FFFFFF0, s28;
	s31 =	spop (v2sf)  }
0x1ee: {  	[tilespmem:s11], [sflag:$0x1] =	stream.linear.gather [hbm4b:s29+s2], $0x80, $0x38;
	[tilespmem:$0x1080] =	vst v63  }
0x1ef: {  	s15 =	sadd.s32 s6, s30;
	s16 =	sand.u32 $0x1FFFFFF0, s31;
	s17 =	spop (v2sf)  }
0x1f0: {  	[tilespmem:s10], [sflag:$0x1] =	stream.linear.gather [hbm4b:s15+s2], $0x80, $0x38;
	[tilespmem:$0x1080] =	vst v63  }
0x1f1: {  	s18 =	sadd.s32 s6, s16;
	s19 =	sand.u32 $0x1FFFFFF0, s17;
	s20 =	spop (v2sf)  }
0x1f2: {  	[tilespmem:s9], [sflag:$0x1] =	stream.linear.gather [hbm4b:s18+s2], $0x80, $0x38;
	[tilespmem:$0x1080] =	vst v63  }
0x1f3: {  	s21 =	sadd.s32 s6, s19;
	s22 =	sand.u32 $0x1FFFFFF0, s20;
	s23 =	spop (v2sf)  }
0x1f4: {  	[tilespmem:s8], [sflag:$0x1] =	stream.linear.gather [hbm4b:s21+s2], $0x80, $0x38;
	[tilespmem:$0x1080] =	vst v63  }
0x1f5: {  	s7 =	rddreg [dreg:$0x12];
	s24 =	sadd.s32 s6, s22;
	s25 =	sand.u32 $0x1FFFFFF0, s23  }
0x1f6: {  	[tilespmem:s7], [sflag:$0x1] =	stream.linear.gather [hbm4b:s24+s2], $0x80, $0x38;
	[tilespmem:$0x1080] =	vst v63  }
0x1f7: {  	s26 =	rddreg [dreg:$0x13];
	s28 =	sadd.s32 s6, s25  }
0x1f8: {  	[tilespmem:s26], [sflag:$0x1] =	stream.linear.gather [hbm4b:s28+s2], $0x80, $0x38;
	[tilespmem:$0x1080] =	vst v63  }
0x1f9: {  	v63 =	vld [tilespmem:$0x10];
	_ =	sdelay $0x4  }
0x1fa: {  	v0 =	vshll.u32 v63, $0x4  }
0x1fb: {  	(v2sf) =	vpush v0, $0x0  }
0x1fc: {  	(v2sf) =	vpush v0, $0x1  }
0x1fd: {  	s14 =	rddreg [dreg:$0x1b];
	(v2sf) =	vpush v0, $0x2  }
0x1fe: {  	s13 =	rddreg [dreg:$0x1c]  }
0x1ff: {  	s31 =	rddreg [dreg:$0x15];
	(v2sf) =	vpush v0, $0x3  }
0x200: {  	s12 =	rddreg [dreg:$0x1d]  }
0x201: {  	s16 =	rddreg [dreg:$0x19];
	(v2sf) =	vpush v0, $0x4  }
0x202: {  	s17 =	rddreg [dreg:$0x18]  }
0x203: {  	s19 =	rddreg [dreg:$0x16];
	(v2sf) =	vpush v0, $0x5  }
0x204: {  	s11 =	rddreg [dreg:$0x1e]  }
0x205: {  	s29 =	rddreg [dreg:$0x14];
	(v2sf) =	vpush v0, $0x6  }
0x206: {  	s10 =	rddreg [dreg:$0x1f]  }
0x207: {  	s15 =	rddreg [dreg:$0x1a];
	(v2sf) =	vpush v0, $0x7  }
0x208: {  	s9 =	sld [smem:$0x7FA]  }
0x209: {  	s18 =	rddreg [dreg:$0x17];
	(v2sf) =	vpush v0, $0x8  }
0x20a: {  	s8 =	sld [smem:$0x7FB];
	s30 =	spop (v2sf)  }
0x20b: {  	s7 =	sld [smem:$0x7FC];
	(v2sf) =	vpush v0, $0x9;
	s21 =	sand.u32 $0x1FFFFFF0, s30;
	s24 =	spop (v2sf)  }
0x20c: {  	s21 =	sadd.s32 s6, s21;
	s23 =	sand.u32 $0x1FFFFFF0, s24;
	s24 =	spop (v2sf)  }
0x20d: {  	(v2sf) =	vpush v0, $0xA;
	[tilespmem:s29], [sflag:$0x1] =	stream.linear.gather [hbm4b:s21+s2], $0x80, $0x38;
	[tilespmem:$0x1080] =	vst v63  }
0x20e: {  	s25 =	sadd.s32 s6, s23;
	s26 =	sand.u32 $0x1FFFFFF0, s24;
	s28 =	spop (v2sf)  }
0x20f: {  	(v2sf) =	vpush v0, $0xB;
	[tilespmem:s31], [sflag:$0x1] =	stream.linear.gather [hbm4b:s25+s2], $0x80, $0x38;
	[tilespmem:$0x1080] =	vst v63  }
0x210: {  	s29 =	sadd.s32 s6, s26;
	s30 =	sand.u32 $0x1FFFFFF0, s28;
	s31 =	spop (v2sf)  }
0x211: {  	(v2sf) =	vpush v0, $0xC;
	[tilespmem:s19], [sflag:$0x1] =	stream.linear.gather [hbm4b:s29+s2], $0x80, $0x38;
	[tilespmem:$0x1080] =	vst v63  }
0x212: {  	s21 =	sadd.s32 s6, s30;
	s23 =	sand.u32 $0x1FFFFFF0, s31;
	s24 =	spop (v2sf)  }
0x213: {  	(v2sf) =	vpush v0, $0xD;
	[tilespmem:s18], [sflag:$0x1] =	stream.linear.gather [hbm4b:s21+s2], $0x80, $0x38;
	[tilespmem:$0x1080] =	vst v63  }
0x214: {  	s25 =	sadd.s32 s6, s23;
	s26 =	sand.u32 $0x1FFFFFF0, s24;
	s28 =	spop (v2sf)  }
0x215: {  	(v2sf) =	vpush v0, $0xE;
	[tilespmem:s17], [sflag:$0x1] =	stream.linear.gather [hbm4b:s25+s2], $0x80, $0x38;
	[tilespmem:$0x1080] =	vst v63  }
0x216: {  	s29 =	sadd.s32 s6, s26;
	s30 =	sand.u32 $0x1FFFFFF0, s28;
	s31 =	spop (v2sf)  }
0x217: {  	(v2sf) =	vpush v0, $0xF;
	[tilespmem:s16], [sflag:$0x1] =	stream.linear.gather [hbm4b:s29+s2], $0x80, $0x38;
	[tilespmem:$0x1080] =	vst v63  }
0x218: {  	s18 =	sadd.s32 s6, s30;
	s20 =	sand.u32 $0x1FFFFFF0, s31;
	s21 =	spop (v2sf)  }
0x219: {  	[tilespmem:s15], [sflag:$0x1] =	stream.linear.gather [hbm4b:s18+s2], $0x80, $0x38;
	[tilespmem:$0x1080] =	vst v63  }
0x21a: {  	s22 =	sadd.s32 s6, s20;
	s23 =	sand.u32 $0x1FFFFFF0, s21;
	s24 =	spop (v2sf)  }
0x21b: {  	[tilespmem:s14], [sflag:$0x1] =	stream.linear.gather [hbm4b:s22+s2], $0x80, $0x38;
	[tilespmem:$0x1080] =	vst v63  }
0x21c: {  	s25 =	sadd.s32 s6, s23;
	s26 =	sand.u32 $0x1FFFFFF0, s24;
	s28 =	spop (v2sf)  }
0x21d: {  	[tilespmem:s13], [sflag:$0x1] =	stream.linear.gather [hbm4b:s25+s2], $0x80, $0x38;
	[tilespmem:$0x1080] =	vst v63  }
0x21e: {  	s29 =	sadd.s32 s6, s26;
	s30 =	sand.u32 $0x1FFFFFF0, s28;
	s31 =	spop (v2sf)  }
0x21f: {  	[tilespmem:s12], [sflag:$0x1] =	stream.linear.gather [hbm4b:s29+s2], $0x80, $0x38;
	[tilespmem:$0x1080] =	vst v63  }
0x220: {  	s14 =	sadd.s32 s6, s30;
	s15 =	sand.u32 $0x1FFFFFF0, s31;
	s16 =	spop (v2sf)  }
0x221: {  	[tilespmem:s11], [sflag:$0x1] =	stream.linear.gather [hbm4b:s14+s2], $0x80, $0x38;
	[tilespmem:$0x1080] =	vst v63  }
0x222: {  	s17 =	sadd.s32 s6, s15;
	s18 =	sand.u32 $0x1FFFFFF0, s16;
	s19 =	spop (v2sf)  }
0x223: {  	[tilespmem:s10], [sflag:$0x1] =	stream.linear.gather [hbm4b:s17+s2], $0x80, $0x38;
	[tilespmem:$0x1080] =	vst v63  }
0x224: {  	s20 =	sadd.s32 s6, s18;
	s21 =	sand.u32 $0x1FFFFFF0, s19;
	s22 =	spop (v2sf)  }
0x225: {  	[tilespmem:s9], [sflag:$0x1] =	stream.linear.gather [hbm4b:s20+s2], $0x80, $0x38;
	[tilespmem:$0x1080] =	vst v63  }
0x226: {  	s23 =	sadd.s32 s6, s21;
	s24 =	sand.u32 $0x1FFFFFF0, s22;
	s25 =	spop (v2sf)  }
0x227: {  	[tilespmem:s8], [sflag:$0x1] =	stream.linear.gather [hbm4b:s23+s2], $0x80, $0x38;
	[tilespmem:$0x1080] =	vst v63  }
0x228: {  	s29 =	sld [smem:$0x7FD];
	s26 =	sadd.s32 s6, s24;
	s28 =	sand.u32 $0x1FFFFFF0, s25  }
0x229: {  	[tilespmem:s7], [sflag:$0x1] =	stream.linear.gather [hbm4b:s26+s2], $0x80, $0x38;
	[tilespmem:$0x1080] =	vst v63  }
0x22a: {  	s30 =	sadd.s32 s6, s28  }
0x22b: {  	[tilespmem:s29], [sflag:$0x1] =	stream.linear.gather [hbm4b:s30+s2], $0x80, $0x38;
	[tilespmem:$0x1080] =	vst v63  }
0x22c: {  	_ =	swait.ge [sflag:s5], $0x80  }
0x22d: {  	[sflag:s5] =	ssyncset.done $0x0  }
0x22e: {  	[sflag:s5] =	ssyncadd.s32 $0xFFFFFF80  }
0x22f: {  	_ =	swait.ge [sflag:s5], $0x80  }
0x230: {  	[sflag:s5] =	ssyncset.done $0x0  }
0x231: {  	[sflag:s5] =	ssyncadd.s32 $0xFFFFFF80  }
0x232: {  	_ =	swait.ge [sflag:s5], $0x80  }
0x233: {  	[sflag:s5] =	ssyncset.done $0x0  }
0x234: {  	[sflag:s5] =	ssyncadd.s32 $0xFFFFFF80  }
0x235: {  	_ =	swait.ge [sflag:s5], $0x80  }
0x236: {  	[sflag:s5] =	ssyncset.done $0x0  }
0x237: {  	[sflag:s5] =	ssyncadd.s32 $0xFFFFFF80  }
0x238: {  	_ =	swait.ge [sflag:s5], $0x80  }
0x239: {  	[sflag:s5] =	ssyncset.done $0x0  }
0x23a: {  	[sflag:s5] =	ssyncadd.s32 $0xFFFFFF80  }
0x23b: {  	_ =	swait.ge [sflag:s5], $0x80  }
0x23c: {  	[sflag:s5] =	ssyncset.done $0x0  }
0x23d: {  	[sflag:s5] =	ssyncadd.s32 $0xFFFFFF80  }
0x23e: {  	_ =	swait.ge [sflag:s5], $0x80  }
0x23f: {  	[sflag:s5] =	ssyncset.done $0x0  }
0x240: {  	[sflag:s5] =	ssyncadd.s32 $0xFFFFFF80  }
0x241: {  	_ =	swait.ge [sflag:s5], $0x80  }
0x242: {  	[sflag:s5] =	ssyncset.done $0x0  }
0x243: {  	[sflag:s5] =	ssyncadd.s32 $0xFFFFFF80  }
0x244: {  	_ =	swait.ge [sflag:s5], $0x80  }
0x245: {  	[sflag:s5] =	ssyncset.done $0x0  }
0x246: {  	[sflag:s5] =	ssyncadd.s32 $0xFFFFFF80  }
0x247: {  	_ =	swait.ge [sflag:s5], $0x80  }
0x248: {  	[sflag:s5] =	ssyncset.done $0x0  }
0x249: {  	[sflag:s5] =	ssyncadd.s32 $0xFFFFFF80  }
0x24a: {  	_ =	swait.ge [sflag:s5], $0x80  }
0x24b: {  	[sflag:s5] =	ssyncset.done $0x0  }
0x24c: {  	[sflag:s5] =	ssyncadd.s32 $0xFFFFFF80  }
0x24d: {  	_ =	swait.ge [sflag:s5], $0x80  }
0x24e: {  	[sflag:s5] =	ssyncset.done $0x0  }
0x24f: {  	[sflag:s5] =	ssyncadd.s32 $0xFFFFFF80  }
0x250: {  	_ =	swait.ge [sflag:s5], $0x80  }
0x251: {  	[sflag:s5] =	ssyncset.done $0x0  }
0x252: {  	[sflag:s5] =	ssyncadd.s32 $0xFFFFFF80  }
0x253: {  	_ =	swait.ge [sflag:s5], $0x80  }
0x254: {  	[sflag:s5] =	ssyncset.done $0x0  }
0x255: {  	[sflag:s5] =	ssyncadd.s32 $0xFFFFFF80  }
0x256: {  	_ =	swait.ge [sflag:s5], $0x80  }
0x257: {  	[sflag:s5] =	ssyncset.done $0x0  }
0x258: {  	[sflag:s5] =	ssyncadd.s32 $0xFFFFFF80  }
0x259: {  	_ =	swait.ge [sflag:s5], $0x80  }
0x25a: {  	[sflag:s5] =	ssyncset.done $0x0  }
0x25b: {  	[sflag:s5] =	ssyncadd.s32 $0xFFFFFF80  }
0x25c: {  	_ =	swait.ge [sflag:s5], $0x80  }
0x25d: {  	[sflag:s5] =	ssyncset.done $0x0  }
0x25e: {  	[sflag:s5] =	ssyncadd.s32 $0xFFFFFF80  }
0x25f: {  	_ =	swait.ge [sflag:s5], $0x80  }
0x260: {  	[sflag:s5] =	ssyncset.done $0x0  }
0x261: {  	[sflag:s5] =	ssyncadd.s32 $0xFFFFFF80  }
0x262: {  	_ =	swait.ge [sflag:s5], $0x80  }
0x263: {  	[sflag:s5] =	ssyncset.done $0x0  }
0x264: {  	[sflag:s5] =	ssyncadd.s32 $0xFFFFFF80  }
0x265: {  	_ =	swait.ge [sflag:s5], $0x80  }
0x266: {  	[sflag:s5] =	ssyncset.done $0x0  }
0x267: {  	[sflag:s5] =	ssyncadd.s32 $0xFFFFFF80  }
0x268: {  	_ =	swait.ge [sflag:s5], $0x80  }
0x269: {  	[sflag:s5] =	ssyncset.done $0x0  }
0x26a: {  	[sflag:s5] =	ssyncadd.s32 $0xFFFFFF80  }
0x26b: {  	_ =	swait.ge [sflag:s5], $0x80  }
0x26c: {  	[sflag:s5] =	ssyncset.done $0x0  }
0x26d: {  	[sflag:s5] =	ssyncadd.s32 $0xFFFFFF80  }
0x26e: {  	_ =	swait.ge [sflag:s5], $0x80  }
0x26f: {  	[sflag:s5] =	ssyncset.done $0x0  }
0x270: {  	[sflag:s5] =	ssyncadd.s32 $0xFFFFFF80  }
0x271: {  	_ =	swait.ge [sflag:s5], $0x80  }
0x272: {  	[sflag:s5] =	ssyncset.done $0x0  }
0x273: {  	[sflag:s5] =	ssyncadd.s32 $0xFFFFFF80  }
0x274: {  	_ =	swait.ge [sflag:s5], $0x80  }
0x275: {  	[sflag:s5] =	ssyncset.done $0x0  }
0x276: {  	[sflag:s5] =	ssyncadd.s32 $0xFFFFFF80  }
0x277: {  	_ =	swait.ge [sflag:s5], $0x80  }
0x278: {  	[sflag:s5] =	ssyncset.done $0x0  }
0x279: {  	[sflag:s5] =	ssyncadd.s32 $0xFFFFFF80  }
0x27a: {  	_ =	swait.ge [sflag:s5], $0x80  }
0x27b: {  	[sflag:s5] =	ssyncset.done $0x0  }
0x27c: {  	[sflag:s5] =	ssyncadd.s32 $0xFFFFFF80  }
0x27d: {  	_ =	swait.ge [sflag:s5], $0x80  }
0x27e: {  	[sflag:s5] =	ssyncset.done $0x0  }
0x27f: {  	[sflag:s5] =	ssyncadd.s32 $0xFFFFFF80  }
0x280: {  	_ =	swait.ge [sflag:s5], $0x80  }
0x281: {  	[sflag:s5] =	ssyncset.done $0x0  }
0x282: {  	[sflag:s5] =	ssyncadd.s32 $0xFFFFFF80  }
0x283: {  	_ =	swait.ge [sflag:s5], $0x80  }
0x284: {  	[sflag:s5] =	ssyncset.done $0x0  }
0x285: {  	[sflag:s5] =	ssyncadd.s32 $0xFFFFFF80  }
0x286: {  	_ =	swait.ge [sflag:s5], $0x80  }
0x287: {  	[sflag:s5] =	ssyncset.done $0x0  }
0x288: {  	[sflag:s5] =	ssyncadd.s32 $0xFFFFFF80  }
0x289: {  	_ =	swait.ge [sflag:s5], $0x80  }
0x28a: {  	[sflag:s5] =	ssyncset.done $0x0  }
0x28b: {  	s31 =	rddreg [dreg:$0x4];
	[sflag:s5] =	ssyncadd.s32 $0xFFFFFF80  }
0x28c: {  	[hbm4b:s31+s2] =	stream.linear.scatter [tilespmem:s4], [sflag:$0x2], $0x1000, $0x38;
	[tilespmem:$0x1080] =	vst v63  }
0x28d: {  	_ =	swait.ge [sflag:s3], $0x1000  }
0x28e: {  	[sflag:s3] =	ssyncset.done $0x0  }
0x28f: {  	[sflag:s3] =	ssyncadd.s32 $0xFFFFF000  }
0x290: {  	_ =	sfence.sel $0x180000  }
0x291: {  	[bflag:$0x0] =	sbarrier.arrive $0xFFFF  }
0x292: {  	p0 =	sne.s32 s0, $0x0;
	_ =	strace $0x90000047  }
0x293: {  	s0 =	sadd.s32 @!p0 $0x100000, s1;
	[bflag:$0x2] =	sbarrier.arrive $0xFFFF  }
0x294: {  	[sflag:s0] =	ssyncadd.tile.s32 @!p0 $0x1;
	_ =	shalt  }
.Lfunc_end2:
_tile_overlayer_lowered:
.L_overlay_start_2:
0x295: {  	(tag) =	ssettag $0x2  }
0x296: {  	s0 =	rddreg [dreg:$0x0];
	s2 =	stileid.u32  }
0x297: {  	s1 =	rddreg [dreg:$0x1];
	p0 =	sne.s32 s2, $0x0  }
0x298: {  	s3 =	rddreg [dreg:$0x2];
	[bflag:$0x3] =	sbarrier.arrive $0xFFFF;
	s2 =	simm.s32 @!p0 $0x1C02  }
0x299: {  	[timem:s3], [sflag:s2] =	dma.local @!p0 [hbm:s0], s1  }
0x29a: {  	s0 =	simm.s32 @!p0 $0x2  }
0x29b: {  	_ =	swait.ge @!p0 [sflag:s0], s1  }
0x29c: {  	s1 =	ssub.s32 @!p0 $0x0, s1;
	[sflag:s0] =	ssyncset.done @!p0 $0x0  }
0x29d: {  	[sflag:s0] =	ssyncadd.s32 @!p0 s1  }
0x29e: {  	[bflag:$0x3] =	sbarrier.arrive $0xFFFF  }
0x29f: {  	_ =	shalt  }

</sc_bundles>
